<compile_context>
chip_gen: v7x
topology: tpu7x:2x2x1
jax: 0.10.2.dev20260603
libtpu: 0.0.44.dev20260713+nightly
codegen_flags: <defaults>
</compile_context>

<pallas_src>
import functools

import jax
import jax.numpy as jnp
from jax import lax
from jax.experimental import pallas as pl
from jax.experimental.pallas import tpu as pltpu
from jax.experimental.pallas import tpu_sc as plsc

L = 200
B = 4096
EMB = 64
T = L * B
NC = 2
NS = 16
NW = NC * NS
PER_W = T // NW
CHUNK = 128
N_CHUNKS = PER_W // CHUNK
BPL = B // CHUNK
LANES = 16
NBUF = 2


def _sc_embed(rule_idx, tok_idx, node_idx, par_idx,
              rule_table, token_table, node_type_table):
    mesh = plsc.VectorSubcoreMesh(core_axis_name="c", subcore_axis_name="s")

    @functools.partial(
        pl.kernel,
        mesh=mesh,
        out_type=jax.ShapeDtypeStruct((L, B, 3 * EMB), jnp.float32),
        scratch_types=[
            pltpu.VMEM((NBUF, 4, CHUNK), jnp.int32),
            pltpu.VMEM((NBUF, CHUNK, EMB), jnp.float32),
            pltpu.VMEM((NBUF, CHUNK, EMB), jnp.float32),
            pltpu.VMEM((NBUF, CHUNK, EMB), jnp.float32),
            pltpu.VMEM((NBUF, CHUNK, EMB), jnp.float32),
            [pltpu.SemaphoreType.DMA] * NBUF,
            [pltpu.SemaphoreType.DMA] * NBUF,
            [pltpu.SemaphoreType.DMA] * NBUF,
        ],
        compiler_params=pltpu.CompilerParams(use_tc_tiling_on_sc=False),
    )
    def k(ri_hbm, ti_hbm, ni_hbm, pi_hbm, rule_hbm, tok_hbm, node_hbm, out_hbm,
          idx_v, buf_r, buf_t, buf_n, buf_p, gsems, ssems, isems):
        wid = lax.axis_index("s") * NC + lax.axis_index("c")
        g0 = wid * N_CHUNKS

        def gather_copies(s):
            return [
                pltpu.make_async_copy(
                    rule_hbm.at[idx_v.at[s, 0]], buf_r.at[s], gsems[s]),
                pltpu.make_async_copy(
                    tok_hbm.at[idx_v.at[s, 1]], buf_t.at[s], gsems[s]),
                pltpu.make_async_copy(
                    node_hbm.at[idx_v.at[s, 2]], buf_n.at[s], gsems[s]),
                pltpu.make_async_copy(
                    rule_hbm.at[idx_v.at[s, 3]], buf_p.at[s], gsems[s]),
            ]

        def out_copies(s, g):
            lq = g // BPL
            bq = (g % BPL) * CHUNK
            dst = out_hbm.at[lq, pl.ds(bq, CHUNK)]
            return [
                pltpu.make_async_copy(
                    buf_r.at[s], dst.at[:, pl.ds(0, EMB)], ssems[s]),
                pltpu.make_async_copy(
                    buf_n.at[s], dst.at[:, pl.ds(EMB, EMB)], ssems[s]),
                pltpu.make_async_copy(
                    buf_p.at[s], dst.at[:, pl.ds(2 * EMB, EMB)], ssems[s]),
            ]

        def idx_copies(s, g):
            base = g * CHUNK
            return [
                pltpu.make_async_copy(
                    src.at[pl.ds(base, CHUNK)], idx_v.at[s, j], isems[s])
                for j, src in enumerate((ri_hbm, ti_hbm, ni_hbm, pi_hbm))
            ]

        for cp in idx_copies(0, g0):
            cp.start()
        for cp in idx_copies(0, g0):
            cp.wait()
        for cp in gather_copies(0):
            cp.start()
        for cp in idx_copies(1, g0 + 1):
            cp.start()

        def pair_body(p, carry):
            for b in range(NBUF):
                g = p * NBUF + b
                bn = 1 - b
                @pl.when(g >= 1)
                def _():
                    for cp in out_copies(bn, 0):
                        cp.wait()

                @pl.when(g + 1 < N_CHUNKS)
                def _():
                    for cp in idx_copies(bn, 0):
                        cp.wait()
                    for cp in gather_copies(bn):
                        cp.start()

                for cp in gather_copies(b):
                    cp.wait()

                @pl.when(g + 2 < N_CHUNKS)
                def _():
                    for cp in idx_copies(b, g0 + g + 2):
                        cp.start()

                def add_row(r, c2):
                    for j in range(EMB // LANES):
                        sl = pl.ds(j * LANES, LANES)
                        buf_r[b, r, sl] = buf_r[b, r, sl] + buf_t[b, r, sl]
                    return c2

                lax.fori_loop(0, CHUNK, add_row, 0)

                for cp in out_copies(b, g0 + g):
                    cp.start()
            return carry

        lax.fori_loop(0, N_CHUNKS // NBUF, pair_body, 0)

        for cp in out_copies((N_CHUNKS - 1) % NBUF, 0):
            cp.wait()

    return k(rule_idx, tok_idx, node_idx, par_idx,
             rule_table, token_table, node_type_table)


def kernel(actions, previous_actions, rule_table, token_table, node_type_table):
    return _sc_embed(
        previous_actions[:, :, 0].reshape(-1).astype(jnp.int32),
        previous_actions[:, :, 1].reshape(-1).astype(jnp.int32),
        actions[:, :, 0].reshape(-1).astype(jnp.int32),
        actions[:, :, 1].reshape(-1).astype(jnp.int32),
        rule_table, token_table, node_type_table,
    )

# --- scband reference (transcript-rebuilt; emitter-appended) ---
"""Pipeline reference for scband-actions-embedding-3032246911604 (READ-ONLY COPY).

The authoritative reference and input builder live on the scoring server;
editing this copy changes nothing except your own understanding.
"""

import jax, jax.numpy as jnp
import numpy as np

N_RULE = 100000
N_TOKEN = 100000
N_NODE_TYPE = 1000
NODE_TYPE_EMB = 64
EMB = 64
L = 200
B = 4096


def _embedding_with_mask(table, idx, mask_value=-1):
    # EmbeddingWithMask: rows equal to mask_value produce zero vectors
    m = (idx == mask_value)
    safe = jnp.where(m, 0, idx)
    e = jnp.take(table, safe, axis=0)
    return jnp.where(m[..., None], 0.0, e)


def setup_inputs(seed: int = 0) -> dict:
    key = jax.random.key(seed)
    k1, k2, k3, k4, k5 = jax.random.split(key, 5)
    actions = jax.random.randint(k1, (L, B, 3), 0, N_NODE_TYPE, dtype=jnp.int64)
    previous_actions = jax.random.randint(k2, (L, B, 3), 0, N_TOKEN, dtype=jnp.int64)
    rule_table = jax.random.normal(k3, (N_RULE, EMB), dtype=jnp.float32) * 0.01
    token_table = jax.random.normal(k4, (N_TOKEN + 1, EMB), dtype=jnp.float32) * 0.01
    node_type_table = jax.random.normal(k5, (N_NODE_TYPE, NODE_TYPE_EMB), dtype=jnp.float32) * 0.01
    return {
        "actions": actions,
        "previous_actions": previous_actions,
        "rule_table": rule_table,
        "token_table": token_table,
        "node_type_table": node_type_table,
    }


def reference(actions, previous_actions, rule_table, token_table, node_type_table):
    # PreviousActionsEmbedding
    rule_seq = previous_actions[:, :, 0]
    token_seq = previous_actions[:, :, 1]
    prev_action_embed = _embedding_with_mask(rule_table, rule_seq) + _embedding_with_mask(token_table, token_seq)
    # ActionsEmbedding
    node_types = actions[:, :, 0]
    parent_rule = actions[:, :, 1]
    node_type_embed = _embedding_with_mask(node_type_table, node_types)
    parent_rule_embed = _embedding_with_mask(rule_table, parent_rule)
    feature = jnp.concatenate([prev_action_embed, node_type_embed, parent_rule_embed], axis=2)
    return feature

if __name__ == "__main__":
    import jax
    _d = setup_inputs()
    print(jax.jit(kernel)(*tuple(_d.values())))

</pallas_src>

<mosaic_0001>
#map = affine_map<(d0, d1) -> (0)>
#map1 = affine_map<(d0, d1) -> (0, 0)>
#map2 = affine_map<(d0, d1) -> (0, 0, 0)>
module attributes {stable_mosaic.version = 14 : i64} {
  func.func @k(%arg0: i32, %arg1: i32, %arg2: memref<819200xi32, #tpu.memory_space<hbm>>, %arg3: memref<819200xi32, #tpu.memory_space<hbm>>, %arg4: memref<819200xi32, #tpu.memory_space<hbm>>, %arg5: memref<819200xi32, #tpu.memory_space<hbm>>, %arg6: memref<100000x64xf32, #tpu.memory_space<hbm>>, %arg7: memref<100001x64xf32, #tpu.memory_space<hbm>>, %arg8: memref<1000x64xf32, #tpu.memory_space<hbm>>, %arg9: memref<200x4096x192xf32, #tpu.memory_space<hbm>>, %arg10: memref<2x4x128xi32, #tpu.memory_space<vmem>>, %arg11: memref<2x128x64xf32, #tpu.memory_space<vmem>>, %arg12: memref<2x128x64xf32, #tpu.memory_space<vmem>>, %arg13: memref<2x128x64xf32, #tpu.memory_space<vmem>>, %arg14: memref<2x128x64xf32, #tpu.memory_space<vmem>>, %arg15: memref<!tpu.dma_semaphore, #tpu.memory_space<semaphore_mem>>, %arg16: memref<!tpu.dma_semaphore, #tpu.memory_space<semaphore_mem>>, %arg17: memref<!tpu.dma_semaphore, #tpu.memory_space<semaphore_mem>>, %arg18: memref<!tpu.dma_semaphore, #tpu.memory_space<semaphore_mem>>, %arg19: memref<!tpu.dma_semaphore, #tpu.memory_space<semaphore_mem>>, %arg20: memref<!tpu.dma_semaphore, #tpu.memory_space<semaphore_mem>>) attributes {dimension_semantics = [#tpu.dimension_semantics<core_parallel>, #tpu.dimension_semantics<subcore_parallel>], iteration_bounds = array<i64: 2, 16>, scalar_prefetch = 0 : i64, scratch_operands = 11 : i64, tpu.core_type = #tpu.core_type<sc_vector_subcore>, window_params = [{transform_indices = #map}, {transform_indices = #map}, {transform_indices = #map}, {transform_indices = #map}, {transform_indices = #map1}, {transform_indices = #map1}, {transform_indices = #map1}, {transform_indices = #map2}]} {
    %mul3A = arith.constant 2 : i32
    %mul3A_0 = arith.muli %arg1, %mul3A : i32
    %add3A = arith.addi %mul3A_0, %arg0 : i32
    %mul3A_1 = arith.constant 200 : i32
    %mul3A_2 = arith.muli %add3A, %mul3A_1 : i32
    %mul3A_3 = arith.constant 128 : i32
    %mul3A_4 = arith.muli %mul3A_2, %mul3A_3 : i32
    %dma_start3A = arith.constant 0 : i32
    %dma_start3A_5 = arith.constant 0 : i32
    %dma_start3A_6 = arith.constant 0 : i32
    %dma_start3A_7 = tpu.memref_slice %arg10[%dma_start3A, %dma_start3A_5, %dma_start3A_6] : memref<2x4x128xi32, #tpu.memory_space<vmem>> -> memref<1x1x128xi32, #tpu.memory_space<vmem>>
    %dma_start3A_8 = tpu.memref_squeeze %dma_start3A_7 : memref<1x1x128xi32, #tpu.memory_space<vmem>> -> memref<128xi32, #tpu.memory_space<vmem>>
    %dma_start3A_9 = tpu.memref_slice %arg2[%mul3A_4] : memref<819200xi32, #tpu.memory_space<hbm>> -> memref<128xi32, #tpu.memory_space<hbm>>
    %dma_start3A_10 = arith.constant 0 : i32
    %dma_start3A_11 = tpu.memref_slice %arg10[%dma_start3A, %dma_start3A_5, %dma_start3A_10] : memref<2x4x128xi32, #tpu.memory_space<vmem>> -> memref<1x1x128xi32, #tpu.memory_space<vmem>>
    %dma_start3A_12 = tpu.memref_squeeze %dma_start3A_11 : memref<1x1x128xi32, #tpu.memory_space<vmem>> -> memref<128xi32, #tpu.memory_space<vmem>>
    %dma_start3A_13 = tpu.memref_slice %arg2[%mul3A_4] : memref<819200xi32, #tpu.memory_space<hbm>> -> memref<128xi32, #tpu.memory_space<hbm>>
    tpu.enqueue_dma source(%dma_start3A_13 : memref<128xi32, #tpu.memory_space<hbm>>) target(%dma_start3A_12 : memref<128xi32, #tpu.memory_space<vmem>>) target_semaphore(%arg19 : memref<!tpu.dma_semaphore, #tpu.memory_space<semaphore_mem>>)
    %dma_start3A_14 = arith.constant 0 : i32
    %dma_start3A_15 = arith.constant 1 : i32
    %dma_start3A_16 = arith.constant 0 : i32
    %dma_start3A_17 = tpu.memref_slice %arg10[%dma_start3A_14, %dma_start3A_15, %dma_start3A_16] : memref<2x4x128xi32, #tpu.memory_space<vmem>> -> memref<1x1x128xi32, #tpu.memory_space<vmem>>
    %dma_start3A_18 = tpu.memref_squeeze %dma_start3A_17 : memref<1x1x128xi32, #tpu.memory_space<vmem>> -> memref<128xi32, #tpu.memory_space<vmem>>
    %dma_start3A_19 = tpu.memref_slice %arg3[%mul3A_4] : memref<819200xi32, #tpu.memory_space<hbm>> -> memref<128xi32, #tpu.memory_space<hbm>>
    %dma_start3A_20 = arith.constant 0 : i32
    %dma_start3A_21 = tpu.memref_slice %arg10[%dma_start3A_14, %dma_start3A_15, %dma_start3A_20] : memref<2x4x128xi32, #tpu.memory_space<vmem>> -> memref<1x1x128xi32, #tpu.memory_space<vmem>>
    %dma_start3A_22 = tpu.memref_squeeze %dma_start3A_21 : memref<1x1x128xi32, #tpu.memory_space<vmem>> -> memref<128xi32, #tpu.memory_space<vmem>>
    %dma_start3A_23 = tpu.memref_slice %arg3[%mul3A_4] : memref<819200xi32, #tpu.memory_space<hbm>> -> memref<128xi32, #tpu.memory_space<hbm>>
    tpu.enqueue_dma source(%dma_start3A_23 : memref<128xi32, #tpu.memory_space<hbm>>) target(%dma_start3A_22 : memref<128xi32, #tpu.memory_space<vmem>>) target_semaphore(%arg19 : memref<!tpu.dma_semaphore, #tpu.memory_space<semaphore_mem>>)
    %dma_start3A_24 = arith.constant 0 : i32
    %dma_start3A_25 = arith.constant 2 : i32
    %dma_start3A_26 = arith.constant 0 : i32
    %dma_start3A_27 = tpu.memref_slice %arg10[%dma_start3A_24, %dma_start3A_25, %dma_start3A_26] : memref<2x4x128xi32, #tpu.memory_space<vmem>> -> memref<1x1x128xi32, #tpu.memory_space<vmem>>
    %dma_start3A_28 = tpu.memref_squeeze %dma_start3A_27 : memref<1x1x128xi32, #tpu.memory_space<vmem>> -> memref<128xi32, #tpu.memory_space<vmem>>
    %dma_start3A_29 = tpu.memref_slice %arg4[%mul3A_4] : memref<819200xi32, #tpu.memory_space<hbm>> -> memref<128xi32, #tpu.memory_space<hbm>>
    %dma_start3A_30 = arith.constant 0 : i32
    %dma_start3A_31 = tpu.memref_slice %arg10[%dma_start3A_24, %dma_start3A_25, %dma_start3A_30] : memref<2x4x128xi32, #tpu.memory_space<vmem>> -> memref<1x1x128xi32, #tpu.memory_space<vmem>>
    %dma_start3A_32 = tpu.memref_squeeze %dma_start3A_31 : memref<1x1x128xi32, #tpu.memory_space<vmem>> -> memref<128xi32, #tpu.memory_space<vmem>>
    %dma_start3A_33 = tpu.memref_slice %arg4[%mul3A_4] : memref<819200xi32, #tpu.memory_space<hbm>> -> memref<128xi32, #tpu.memory_space<hbm>>
    tpu.enqueue_dma source(%dma_start3A_33 : memref<128xi32, #tpu.memory_space<hbm>>) target(%dma_start3A_32 : memref<128xi32, #tpu.memory_space<vmem>>) target_semaphore(%arg19 : memref<!tpu.dma_semaphore, #tpu.memory_space<semaphore_mem>>)
    %dma_start3A_34 = arith.constant 0 : i32
    %dma_start3A_35 = arith.constant 3 : i32
    %dma_start3A_36 = arith.constant 0 : i32
    %dma_start3A_37 = tpu.memref_slice %arg10[%dma_start3A_34, %dma_start3A_35, %dma_start3A_36] : memref<2x4x128xi32, #tpu.memory_space<vmem>> -> memref<1x1x128xi32, #tpu.memory_space<vmem>>
    %dma_start3A_38 = tpu.memref_squeeze %dma_start3A_37 : memref<1x1x128xi32, #tpu.memory_space<vmem>> -> memref<128xi32, #tpu.memory_space<vmem>>
    %dma_start3A_39 = tpu.memref_slice %arg5[%mul3A_4] : memref<819200xi32, #tpu.memory_space<hbm>> -> memref<128xi32, #tpu.memory_space<hbm>>
    %dma_start3A_40 = arith.constant 0 : i32
    %dma_start3A_41 = tpu.memref_slice %arg10[%dma_start3A_34, %dma_start3A_35, %dma_start3A_40] : memref<2x4x128xi32, #tpu.memory_space<vmem>> -> memref<1x1x128xi32, #tpu.memory_space<vmem>>
    %dma_start3A_42 = tpu.memref_squeeze %dma_start3A_41 : memref<1x1x128xi32, #tpu.memory_space<vmem>> -> memref<128xi32, #tpu.memory_space<vmem>>
    %dma_start3A_43 = tpu.memref_slice %arg5[%mul3A_4] : memref<819200xi32, #tpu.memory_space<hbm>> -> memref<128xi32, #tpu.memory_space<hbm>>
    tpu.enqueue_dma source(%dma_start3A_43 : memref<128xi32, #tpu.memory_space<hbm>>) target(%dma_start3A_42 : memref<128xi32, #tpu.memory_space<vmem>>) target_semaphore(%arg19 : memref<!tpu.dma_semaphore, #tpu.memory_space<semaphore_mem>>)
    %mul3A_44 = arith.constant 128 : i32
    %mul3A_45 = arith.muli %mul3A_2, %mul3A_44 : i32
    %dma_wait3A = arith.constant 0 : i32
    %dma_wait3A_46 = arith.constant 0 : i32
    %dma_wait3A_47 = arith.constant 0 : i32
    %dma_wait3A_48 = tpu.memref_slice %arg10[%dma_wait3A, %dma_wait3A_46, %dma_wait3A_47] : memref<2x4x128xi32, #tpu.memory_space<vmem>> -> memref<1x1x128xi32, #tpu.memory_space<vmem>>
    %dma_wait3A_49 = tpu.memref_squeeze %dma_wait3A_48 : memref<1x1x128xi32, #tpu.memory_space<vmem>> -> memref<128xi32, #tpu.memory_space<vmem>>
    %dma_wait3A_50 = tpu.memref_slice %arg2[%mul3A_45] : memref<819200xi32, #tpu.memory_space<hbm>> -> memref<128xi32, #tpu.memory_space<hbm>>
    %dma_wait3A_51 = arith.constant 0 : i32
    %dma_wait3A_52 = tpu.memref_slice %arg10[%dma_wait3A, %dma_wait3A_46, %dma_wait3A_51] : memref<2x4x128xi32, #tpu.memory_space<vmem>> -> memref<1x1x128xi32, #tpu.memory_space<vmem>>
    %dma_wait3A_53 = tpu.memref_squeeze %dma_wait3A_52 : memref<1x1x128xi32, #tpu.memory_space<vmem>> -> memref<128xi32, #tpu.memory_space<vmem>>
    %dma_wait3A_54 = tpu.memref_slice %arg2[%mul3A_45] : memref<819200xi32, #tpu.memory_space<hbm>> -> memref<128xi32, #tpu.memory_space<hbm>>
    tpu.wait_dma2 semaphore(%arg19 : memref<!tpu.dma_semaphore, #tpu.memory_space<semaphore_mem>>) src(%dma_wait3A_54 : memref<128xi32, #tpu.memory_space<hbm>>) dst(%dma_wait3A_53 : memref<128xi32, #tpu.memory_space<vmem>>)
    %dma_wait3A_55 = arith.constant 0 : i32
    %dma_wait3A_56 = arith.constant 1 : i32
    %dma_wait3A_57 = arith.constant 0 : i32
    %dma_wait3A_58 = tpu.memref_slice %arg10[%dma_wait3A_55, %dma_wait3A_56, %dma_wait3A_57] : memref<2x4x128xi32, #tpu.memory_space<vmem>> -> memref<1x1x128xi32, #tpu.memory_space<vmem>>
    %dma_wait3A_59 = tpu.memref_squeeze %dma_wait3A_58 : memref<1x1x128xi32, #tpu.memory_space<vmem>> -> memref<128xi32, #tpu.memory_space<vmem>>
    %dma_wait3A_60 = tpu.memref_slice %arg3[%mul3A_45] : memref<819200xi32, #tpu.memory_space<hbm>> -> memref<128xi32, #tpu.memory_space<hbm>>
    %dma_wait3A_61 = arith.constant 0 : i32
    %dma_wait3A_62 = tpu.memref_slice %arg10[%dma_wait3A_55, %dma_wait3A_56, %dma_wait3A_61] : memref<2x4x128xi32, #tpu.memory_space<vmem>> -> memref<1x1x128xi32, #tpu.memory_space<vmem>>
    %dma_wait3A_63 = tpu.memref_squeeze %dma_wait3A_62 : memref<1x1x128xi32, #tpu.memory_space<vmem>> -> memref<128xi32, #tpu.memory_space<vmem>>
    %dma_wait3A_64 = tpu.memref_slice %arg3[%mul3A_45] : memref<819200xi32, #tpu.memory_space<hbm>> -> memref<128xi32, #tpu.memory_space<hbm>>
    tpu.wait_dma2 semaphore(%arg19 : memref<!tpu.dma_semaphore, #tpu.memory_space<semaphore_mem>>) src(%dma_wait3A_64 : memref<128xi32, #tpu.memory_space<hbm>>) dst(%dma_wait3A_63 : memref<128xi32, #tpu.memory_space<vmem>>)
    %dma_wait3A_65 = arith.constant 0 : i32
    %dma_wait3A_66 = arith.constant 2 : i32
    %dma_wait3A_67 = arith.constant 0 : i32
    %dma_wait3A_68 = tpu.memref_slice %arg10[%dma_wait3A_65, %dma_wait3A_66, %dma_wait3A_67] : memref<2x4x128xi32, #tpu.memory_space<vmem>> -> memref<1x1x128xi32, #tpu.memory_space<vmem>>
    %dma_wait3A_69 = tpu.memref_squeeze %dma_wait3A_68 : memref<1x1x128xi32, #tpu.memory_space<vmem>> -> memref<128xi32, #tpu.memory_space<vmem>>
    %dma_wait3A_70 = tpu.memref_slice %arg4[%mul3A_45] : memref<819200xi32, #tpu.memory_space<hbm>> -> memref<128xi32, #tpu.memory_space<hbm>>
    %dma_wait3A_71 = arith.constant 0 : i32
    %dma_wait3A_72 = tpu.memref_slice %arg10[%dma_wait3A_65, %dma_wait3A_66, %dma_wait3A_71] : memref<2x4x128xi32, #tpu.memory_space<vmem>> -> memref<1x1x128xi32, #tpu.memory_space<vmem>>
    %dma_wait3A_73 = tpu.memref_squeeze %dma_wait3A_72 : memref<1x1x128xi32, #tpu.memory_space<vmem>> -> memref<128xi32, #tpu.memory_space<vmem>>
    %dma_wait3A_74 = tpu.memref_slice %arg4[%mul3A_45] : memref<819200xi32, #tpu.memory_space<hbm>> -> memref<128xi32, #tpu.memory_space<hbm>>
    tpu.wait_dma2 semaphore(%arg19 : memref<!tpu.dma_semaphore, #tpu.memory_space<semaphore_mem>>) src(%dma_wait3A_74 : memref<128xi32, #tpu.memory_space<hbm>>) dst(%dma_wait3A_73 : memref<128xi32, #tpu.memory_space<vmem>>)
    %dma_wait3A_75 = arith.constant 0 : i32
    %dma_wait3A_76 = arith.constant 3 : i32
    %dma_wait3A_77 = arith.constant 0 : i32
    %dma_wait3A_78 = tpu.memref_slice %arg10[%dma_wait3A_75, %dma_wait3A_76, %dma_wait3A_77] : memref<2x4x128xi32, #tpu.memory_space<vmem>> -> memref<1x1x128xi32, #tpu.memory_space<vmem>>
    %dma_wait3A_79 = tpu.memref_squeeze %dma_wait3A_78 : memref<1x1x128xi32, #tpu.memory_space<vmem>> -> memref<128xi32, #tpu.memory_space<vmem>>
    %dma_wait3A_80 = tpu.memref_slice %arg5[%mul3A_45] : memref<819200xi32, #tpu.memory_space<hbm>> -> memref<128xi32, #tpu.memory_space<hbm>>
    %dma_wait3A_81 = arith.constant 0 : i32
    %dma_wait3A_82 = tpu.memref_slice %arg10[%dma_wait3A_75, %dma_wait3A_76, %dma_wait3A_81] : memref<2x4x128xi32, #tpu.memory_space<vmem>> -> memref<1x1x128xi32, #tpu.memory_space<vmem>>
    %dma_wait3A_83 = tpu.memref_squeeze %dma_wait3A_82 : memref<1x1x128xi32, #tpu.memory_space<vmem>> -> memref<128xi32, #tpu.memory_space<vmem>>
    %dma_wait3A_84 = tpu.memref_slice %arg5[%mul3A_45] : memref<819200xi32, #tpu.memory_space<hbm>> -> memref<128xi32, #tpu.memory_space<hbm>>
    tpu.wait_dma2 semaphore(%arg19 : memref<!tpu.dma_semaphore, #tpu.memory_space<semaphore_mem>>) src(%dma_wait3A_84 : memref<128xi32, #tpu.memory_space<hbm>>) dst(%dma_wait3A_83 : memref<128xi32, #tpu.memory_space<vmem>>)
    %dma_start3A_85 = arith.constant 0 : i32
    %dma_start3A_86 = arith.constant 0 : i32
    %dma_start3A_87 = arith.constant 0 : i32
    %dma_start3A_88 = arith.constant 0 : i32
    %dma_start3A_89 = arith.constant 0 : i32
    %dma_start3A_90 = tpu.memref_slice %arg11[%dma_start3A_87, %dma_start3A_88, %dma_start3A_89] : memref<2x128x64xf32, #tpu.memory_space<vmem>> -> memref<1x128x64xf32, #tpu.memory_space<vmem>>
    %dma_start3A_91 = tpu.memref_squeeze %dma_start3A_90 : memref<1x128x64xf32, #tpu.memory_space<vmem>> -> memref<128x64xf32, #tpu.memory_space<vmem>>
    %dma_start3A_92 = arith.constant 0 : i32
    %dma_start3A_93 = tpu.memref_slice %arg10[%dma_start3A_85, %dma_start3A_86, %dma_start3A_92] : memref<2x4x128xi32, #tpu.memory_space<vmem>> -> memref<1x1x128xi32, #tpu.memory_space<vmem>>
    %dma_start3A_94 = tpu.memref_squeeze %dma_start3A_93 : memref<1x1x128xi32, #tpu.memory_space<vmem>> -> memref<128xi32, #tpu.memory_space<vmem>>
    %dma_start3A_95 = arith.constant 0 : i32
    %dma_start3A_96 = arith.constant 0 : i32
    %dma_start3A_97 = tpu.memref_slice %arg6[%dma_start3A_95, %dma_start3A_96] : memref<100000x64xf32, #tpu.memory_space<hbm>> -> memref<100000x64xf32, #tpu.memory_space<hbm>>
    tpu.enqueue_indirect_dma source(%dma_start3A_97 : memref<100000x64xf32, #tpu.memory_space<hbm>>) target(%dma_start3A_91 : memref<128x64xf32, #tpu.memory_space<vmem>>) offsets(%dma_start3A_94 : memref<128xi32, #tpu.memory_space<vmem>>) semaphore(%arg15 : memref<!tpu.dma_semaphore, #tpu.memory_space<semaphore_mem>>)
    %dma_start3A_98 = arith.constant 0 : i32
    %dma_start3A_99 = arith.constant 1 : i32
    %dma_start3A_100 = arith.constant 0 : i32
    %dma_start3A_101 = arith.constant 0 : i32
    %dma_start3A_102 = arith.constant 0 : i32
    %dma_start3A_103 = tpu.memref_slice %arg12[%dma_start3A_100, %dma_start3A_101, %dma_start3A_102] : memref<2x128x64xf32, #tpu.memory_space<vmem>> -> memref<1x128x64xf32, #tpu.memory_space<vmem>>
    %dma_start3A_104 = tpu.memref_squeeze %dma_start3A_103 : memref<1x128x64xf32, #tpu.memory_space<vmem>> -> memref<128x64xf32, #tpu.memory_space<vmem>>
    %dma_start3A_105 = arith.constant 0 : i32
    %dma_start3A_106 = tpu.memref_slice %arg10[%dma_start3A_98, %dma_start3A_99, %dma_start3A_105] : memref<2x4x128xi32, #tpu.memory_space<vmem>> -> memref<1x1x128xi32, #tpu.memory_space<vmem>>
    %dma_start3A_107 = tpu.memref_squeeze %dma_start3A_106 : memref<1x1x128xi32, #tpu.memory_space<vmem>> -> memref<128xi32, #tpu.memory_space<vmem>>
    %dma_start3A_108 = arith.constant 0 : i32
    %dma_start3A_109 = arith.constant 0 : i32
    %dma_start3A_110 = tpu.memref_slice %arg7[%dma_start3A_108, %dma_start3A_109] : memref<100001x64xf32, #tpu.memory_space<hbm>> -> memref<100001x64xf32, #tpu.memory_space<hbm>>
    tpu.enqueue_indirect_dma source(%dma_start3A_110 : memref<100001x64xf32, #tpu.memory_space<hbm>>) target(%dma_start3A_104 : memref<128x64xf32, #tpu.memory_space<vmem>>) offsets(%dma_start3A_107 : memref<128xi32, #tpu.memory_space<vmem>>) semaphore(%arg15 : memref<!tpu.dma_semaphore, #tpu.memory_space<semaphore_mem>>)
    %dma_start3A_111 = arith.constant 0 : i32
    %dma_start3A_112 = arith.constant 2 : i32
    %dma_start3A_113 = arith.constant 0 : i32
    %dma_start3A_114 = arith.constant 0 : i32
    %dma_start3A_115 = arith.constant 0 : i32
    %dma_start3A_116 = tpu.memref_slice %arg13[%dma_start3A_113, %dma_start3A_114, %dma_start3A_115] : memref<2x128x64xf32, #tpu.memory_space<vmem>> -> memref<1x128x64xf32, #tpu.memory_space<vmem>>
    %dma_start3A_117 = tpu.memref_squeeze %dma_start3A_116 : memref<1x128x64xf32, #tpu.memory_space<vmem>> -> memref<128x64xf32, #tpu.memory_space<vmem>>
    %dma_start3A_118 = arith.constant 0 : i32
    %dma_start3A_119 = tpu.memref_slice %arg10[%dma_start3A_111, %dma_start3A_112, %dma_start3A_118] : memref<2x4x128xi32, #tpu.memory_space<vmem>> -> memref<1x1x128xi32, #tpu.memory_space<vmem>>
    %dma_start3A_120 = tpu.memref_squeeze %dma_start3A_119 : memref<1x1x128xi32, #tpu.memory_space<vmem>> -> memref<128xi32, #tpu.memory_space<vmem>>
    %dma_start3A_121 = arith.constant 0 : i32
    %dma_start3A_122 = arith.constant 0 : i32
    %dma_start3A_123 = tpu.memref_slice %arg8[%dma_start3A_121, %dma_start3A_122] : memref<1000x64xf32, #tpu.memory_space<hbm>> -> memref<1000x64xf32, #tpu.memory_space<hbm>>
    tpu.enqueue_indirect_dma source(%dma_start3A_123 : memref<1000x64xf32, #tpu.memory_space<hbm>>) target(%dma_start3A_117 : memref<128x64xf32, #tpu.memory_space<vmem>>) offsets(%dma_start3A_120 : memref<128xi32, #tpu.memory_space<vmem>>) semaphore(%arg15 : memref<!tpu.dma_semaphore, #tpu.memory_space<semaphore_mem>>)
    %dma_start3A_124 = arith.constant 0 : i32
    %dma_start3A_125 = arith.constant 3 : i32
    %dma_start3A_126 = arith.constant 0 : i32
    %dma_start3A_127 = arith.constant 0 : i32
    %dma_start3A_128 = arith.constant 0 : i32
    %dma_start3A_129 = tpu.memref_slice %arg14[%dma_start3A_126, %dma_start3A_127, %dma_start3A_128] : memref<2x128x64xf32, #tpu.memory_space<vmem>> -> memref<1x128x64xf32, #tpu.memory_space<vmem>>
    %dma_start3A_130 = tpu.memref_squeeze %dma_start3A_129 : memref<1x128x64xf32, #tpu.memory_space<vmem>> -> memref<128x64xf32, #tpu.memory_space<vmem>>
    %dma_start3A_131 = arith.constant 0 : i32
    %dma_start3A_132 = tpu.memref_slice %arg10[%dma_start3A_124, %dma_start3A_125, %dma_start3A_131] : memref<2x4x128xi32, #tpu.memory_space<vmem>> -> memref<1x1x128xi32, #tpu.memory_space<vmem>>
    %dma_start3A_133 = tpu.memref_squeeze %dma_start3A_132 : memref<1x1x128xi32, #tpu.memory_space<vmem>> -> memref<128xi32, #tpu.memory_space<vmem>>
    %dma_start3A_134 = arith.constant 0 : i32
    %dma_start3A_135 = arith.constant 0 : i32
    %dma_start3A_136 = tpu.memref_slice %arg6[%dma_start3A_134, %dma_start3A_135] : memref<100000x64xf32, #tpu.memory_space<hbm>> -> memref<100000x64xf32, #tpu.memory_space<hbm>>
    tpu.enqueue_indirect_dma source(%dma_start3A_136 : memref<100000x64xf32, #tpu.memory_space<hbm>>) target(%dma_start3A_130 : memref<128x64xf32, #tpu.memory_space<vmem>>) offsets(%dma_start3A_133 : memref<128xi32, #tpu.memory_space<vmem>>) semaphore(%arg15 : memref<!tpu.dma_semaphore, #tpu.memory_space<semaphore_mem>>)
    %add3A_137 = arith.constant 1 : i32
    %add3A_138 = arith.addi %mul3A_2, %add3A_137 : i32
    %mul3A_139 = arith.constant 128 : i32
    %mul3A_140 = arith.muli %add3A_138, %mul3A_139 : i32
    %dma_start3A_141 = arith.constant 1 : i32
    %dma_start3A_142 = arith.constant 0 : i32
    %dma_start3A_143 = arith.constant 0 : i32
    %dma_start3A_144 = tpu.memref_slice %arg10[%dma_start3A_141, %dma_start3A_142, %dma_start3A_143] : memref<2x4x128xi32, #tpu.memory_space<vmem>> -> memref<1x1x128xi32, #tpu.memory_space<vmem>>
    %dma_start3A_145 = tpu.memref_squeeze %dma_start3A_144 : memref<1x1x128xi32, #tpu.memory_space<vmem>> -> memref<128xi32, #tpu.memory_space<vmem>>
    %dma_start3A_146 = tpu.memref_slice %arg2[%mul3A_140] : memref<819200xi32, #tpu.memory_space<hbm>> -> memref<128xi32, #tpu.memory_space<hbm>>
    %dma_start3A_147 = arith.constant 0 : i32
    %dma_start3A_148 = tpu.memref_slice %arg10[%dma_start3A_141, %dma_start3A_142, %dma_start3A_147] : memref<2x4x128xi32, #tpu.memory_space<vmem>> -> memref<1x1x128xi32, #tpu.memory_space<vmem>>
    %dma_start3A_149 = tpu.memref_squeeze %dma_start3A_148 : memref<1x1x128xi32, #tpu.memory_space<vmem>> -> memref<128xi32, #tpu.memory_space<vmem>>
    %dma_start3A_150 = tpu.memref_slice %arg2[%mul3A_140] : memref<819200xi32, #tpu.memory_space<hbm>> -> memref<128xi32, #tpu.memory_space<hbm>>
    tpu.enqueue_dma source(%dma_start3A_150 : memref<128xi32, #tpu.memory_space<hbm>>) target(%dma_start3A_149 : memref<128xi32, #tpu.memory_space<vmem>>) target_semaphore(%arg20 : memref<!tpu.dma_semaphore, #tpu.memory_space<semaphore_mem>>)
    %dma_start3A_151 = arith.constant 1 : i32
    %dma_start3A_152 = arith.constant 1 : i32
    %dma_start3A_153 = arith.constant 0 : i32
    %dma_start3A_154 = tpu.memref_slice %arg10[%dma_start3A_151, %dma_start3A_152, %dma_start3A_153] : memref<2x4x128xi32, #tpu.memory_space<vmem>> -> memref<1x1x128xi32, #tpu.memory_space<vmem>>
    %dma_start3A_155 = tpu.memref_squeeze %dma_start3A_154 : memref<1x1x128xi32, #tpu.memory_space<vmem>> -> memref<128xi32, #tpu.memory_space<vmem>>
    %dma_start3A_156 = tpu.memref_slice %arg3[%mul3A_140] : memref<819200xi32, #tpu.memory_space<hbm>> -> memref<128xi32, #tpu.memory_space<hbm>>
    %dma_start3A_157 = arith.constant 0 : i32
    %dma_start3A_158 = tpu.memref_slice %arg10[%dma_start3A_151, %dma_start3A_152, %dma_start3A_157] : memref<2x4x128xi32, #tpu.memory_space<vmem>> -> memref<1x1x128xi32, #tpu.memory_space<vmem>>
    %dma_start3A_159 = tpu.memref_squeeze %dma_start3A_158 : memref<1x1x128xi32, #tpu.memory_space<vmem>> -> memref<128xi32, #tpu.memory_space<vmem>>
    %dma_start3A_160 = tpu.memref_slice %arg3[%mul3A_140] : memref<819200xi32, #tpu.memory_space<hbm>> -> memref<128xi32, #tpu.memory_space<hbm>>
    tpu.enqueue_dma source(%dma_start3A_160 : memref<128xi32, #tpu.memory_space<hbm>>) target(%dma_start3A_159 : memref<128xi32, #tpu.memory_space<vmem>>) target_semaphore(%arg20 : memref<!tpu.dma_semaphore, #tpu.memory_space<semaphore_mem>>)
    %dma_start3A_161 = arith.constant 1 : i32
    %dma_start3A_162 = arith.constant 2 : i32
    %dma_start3A_163 = arith.constant 0 : i32
    %dma_start3A_164 = tpu.memref_slice %arg10[%dma_start3A_161, %dma_start3A_162, %dma_start3A_163] : memref<2x4x128xi32, #tpu.memory_space<vmem>> -> memref<1x1x128xi32, #tpu.memory_space<vmem>>
    %dma_start3A_165 = tpu.memref_squeeze %dma_start3A_164 : memref<1x1x128xi32, #tpu.memory_space<vmem>> -> memref<128xi32, #tpu.memory_space<vmem>>
    %dma_start3A_166 = tpu.memref_slice %arg4[%mul3A_140] : memref<819200xi32, #tpu.memory_space<hbm>> -> memref<128xi32, #tpu.memory_space<hbm>>
    %dma_start3A_167 = arith.constant 0 : i32
    %dma_start3A_168 = tpu.memref_slice %arg10[%dma_start3A_161, %dma_start3A_162, %dma_start3A_167] : memref<2x4x128xi32, #tpu.memory_space<vmem>> -> memref<1x1x128xi32, #tpu.memory_space<vmem>>
    %dma_start3A_169 = tpu.memref_squeeze %dma_start3A_168 : memref<1x1x128xi32, #tpu.memory_space<vmem>> -> memref<128xi32, #tpu.memory_space<vmem>>
    %dma_start3A_170 = tpu.memref_slice %arg4[%mul3A_140] : memref<819200xi32, #tpu.memory_space<hbm>> -> memref<128xi32, #tpu.memory_space<hbm>>
    tpu.enqueue_dma source(%dma_start3A_170 : memref<128xi32, #tpu.memory_space<hbm>>) target(%dma_start3A_169 : memref<128xi32, #tpu.memory_space<vmem>>) target_semaphore(%arg20 : memref<!tpu.dma_semaphore, #tpu.memory_space<semaphore_mem>>)
    %dma_start3A_171 = arith.constant 1 : i32
    %dma_start3A_172 = arith.constant 3 : i32
    %dma_start3A_173 = arith.constant 0 : i32
    %dma_start3A_174 = tpu.memref_slice %arg10[%dma_start3A_171, %dma_start3A_172, %dma_start3A_173] : memref<2x4x128xi32, #tpu.memory_space<vmem>> -> memref<1x1x128xi32, #tpu.memory_space<vmem>>
    %dma_start3A_175 = tpu.memref_squeeze %dma_start3A_174 : memref<1x1x128xi32, #tpu.memory_space<vmem>> -> memref<128xi32, #tpu.memory_space<vmem>>
    %dma_start3A_176 = tpu.memref_slice %arg5[%mul3A_140] : memref<819200xi32, #tpu.memory_space<hbm>> -> memref<128xi32, #tpu.memory_space<hbm>>
    %dma_start3A_177 = arith.constant 0 : i32
    %dma_start3A_178 = tpu.memref_slice %arg10[%dma_start3A_171, %dma_start3A_172, %dma_start3A_177] : memref<2x4x128xi32, #tpu.memory_space<vmem>> -> memref<1x1x128xi32, #tpu.memory_space<vmem>>
    %dma_start3A_179 = tpu.memref_squeeze %dma_start3A_178 : memref<1x1x128xi32, #tpu.memory_space<vmem>> -> memref<128xi32, #tpu.memory_space<vmem>>
    %dma_start3A_180 = tpu.memref_slice %arg5[%mul3A_140] : memref<819200xi32, #tpu.memory_space<hbm>> -> memref<128xi32, #tpu.memory_space<hbm>>
    tpu.enqueue_dma source(%dma_start3A_180 : memref<128xi32, #tpu.memory_space<hbm>>) target(%dma_start3A_179 : memref<128xi32, #tpu.memory_space<vmem>>) target_semaphore(%arg20 : memref<!tpu.dma_semaphore, #tpu.memory_space<semaphore_mem>>)
    %scan3A = arith.constant 0 : i32
    %scan3A_181 = arith.constant 0 : i32
    %scan3A_182 = arith.constant 100 : i32
    %scan3A_183 = arith.addi %scan3A_181, %scan3A_182 : i32
    %scan3A_184 = arith.constant 1 : i32
    scf.for %scan3A_258 = %scan3A_181 to %scan3A_183 step %scan3A_184  : i32 {
      %mul3A_259 = arith.constant 2 : i32
      %mul3A_260 = arith.muli %scan3A_258, %mul3A_259 : i32
      %add3A_261 = arith.constant 0 : i32
      %add3A_262 = arith.addi %mul3A_260, %add3A_261 : i32
      %ge3A = arith.constant 1 : i32
      %ge3A_263 = arith.cmpi sge, %add3A_262, %ge3A : i32
      %convert_element_type3A = arith.extui %ge3A_263 : i1 to i32
      %cond3A = arith.constant 0 : i32
      %cond3A_264 = arith.cmpi ne, %convert_element_type3A, %cond3A : i32
      scf.if %cond3A_264 {
        %dma_wait3A_620 = arith.constant 1 : i32
        %dma_wait3A_621 = arith.constant 0 : i32
        %dma_wait3A_622 = arith.constant 0 : i32
        %dma_wait3A_623 = arith.constant 0 : i32
        %dma_wait3A_624 = tpu.memref_slice %arg11[%dma_wait3A_620, %dma_wait3A_622, %dma_wait3A_623] : memref<2x128x64xf32, #tpu.memory_space<vmem>> -> memref<1x128x64xf32, #tpu.memory_space<vmem>>
        %dma_wait3A_625 = tpu.memref_squeeze %dma_wait3A_624 : memref<1x128x64xf32, #tpu.memory_space<vmem>> -> memref<128x64xf32, #tpu.memory_space<vmem>>
        %dma_wait3A_626 = arith.constant 0 : i32
        %dma_wait3A_627 = arith.constant 0 : i32
        %dma_wait3A_628 = tpu.memref_slice %arg9[%dma_wait3A_621, %dma_wait3A_626, %dma_wait3A_627] : memref<200x4096x192xf32, #tpu.memory_space<hbm>> -> memref<1x128x192xf32, #tpu.memory_space<hbm>>
        %dma_wait3A_629 = tpu.memref_squeeze %dma_wait3A_628 : memref<1x128x192xf32, #tpu.memory_space<hbm>> -> memref<128x192xf32, #tpu.memory_space<hbm>>
        %dma_wait3A_630 = arith.constant 0 : i32
        %dma_wait3A_631 = arith.constant 0 : i32
        %dma_wait3A_632 = tpu.memref_slice %dma_wait3A_629[%dma_wait3A_630, %dma_wait3A_631] : memref<128x192xf32, #tpu.memory_space<hbm>> -> memref<128x64xf32, #tpu.memory_space<hbm>>
        %dma_wait3A_633 = arith.constant 0 : i32
        %dma_wait3A_634 = arith.constant 0 : i32
        %dma_wait3A_635 = tpu.memref_slice %arg9[%dma_wait3A_621, %dma_wait3A_633, %dma_wait3A_634] : memref<200x4096x192xf32, #tpu.memory_space<hbm>> -> memref<1x128x192xf32, #tpu.memory_space<hbm>>
        %dma_wait3A_636 = tpu.memref_squeeze %dma_wait3A_635 : memref<1x128x192xf32, #tpu.memory_space<hbm>> -> memref<128x192xf32, #tpu.memory_space<hbm>>
        %dma_wait3A_637 = arith.constant 0 : i32
        %dma_wait3A_638 = arith.constant 0 : i32
        %dma_wait3A_639 = tpu.memref_slice %dma_wait3A_636[%dma_wait3A_637, %dma_wait3A_638] : memref<128x192xf32, #tpu.memory_space<hbm>> -> memref<128x64xf32, #tpu.memory_space<hbm>>
        %dma_wait3A_640 = arith.constant 0 : i32
        %dma_wait3A_641 = arith.constant 0 : i32
        %dma_wait3A_642 = tpu.memref_slice %arg11[%dma_wait3A_620, %dma_wait3A_640, %dma_wait3A_641] : memref<2x128x64xf32, #tpu.memory_space<vmem>> -> memref<1x128x64xf32, #tpu.memory_space<vmem>>
        %dma_wait3A_643 = tpu.memref_squeeze %dma_wait3A_642 : memref<1x128x64xf32, #tpu.memory_space<vmem>> -> memref<128x64xf32, #tpu.memory_space<vmem>>
        tpu.wait_dma2 semaphore(%arg18 : memref<!tpu.dma_semaphore, #tpu.memory_space<semaphore_mem>>) src(%dma_wait3A_643 : memref<128x64xf32, #tpu.memory_space<vmem>>) dst(%dma_wait3A_639 : memref<128x64xf32, #tpu.memory_space<hbm>>)
        %dma_wait3A_644 = arith.constant 1 : i32
        %dma_wait3A_645 = arith.constant 0 : i32
        %dma_wait3A_646 = arith.constant 0 : i32
        %dma_wait3A_647 = arith.constant 0 : i32
        %dma_wait3A_648 = tpu.memref_slice %arg13[%dma_wait3A_644, %dma_wait3A_646, %dma_wait3A_647] : memref<2x128x64xf32, #tpu.memory_space<vmem>> -> memref<1x128x64xf32, #tpu.memory_space<vmem>>
        %dma_wait3A_649 = tpu.memref_squeeze %dma_wait3A_648 : memref<1x128x64xf32, #tpu.memory_space<vmem>> -> memref<128x64xf32, #tpu.memory_space<vmem>>
        %dma_wait3A_650 = arith.constant 0 : i32
        %dma_wait3A_651 = arith.constant 0 : i32
        %dma_wait3A_652 = tpu.memref_slice %arg9[%dma_wait3A_645, %dma_wait3A_650, %dma_wait3A_651] : memref<200x4096x192xf32, #tpu.memory_space<hbm>> -> memref<1x128x192xf32, #tpu.memory_space<hbm>>
        %dma_wait3A_653 = tpu.memref_squeeze %dma_wait3A_652 : memref<1x128x192xf32, #tpu.memory_space<hbm>> -> memref<128x192xf32, #tpu.memory_space<hbm>>
        %dma_wait3A_654 = arith.constant 0 : i32
        %dma_wait3A_655 = arith.constant 64 : i32
        %dma_wait3A_656 = tpu.memref_slice %dma_wait3A_653[%dma_wait3A_654, %dma_wait3A_655] : memref<128x192xf32, #tpu.memory_space<hbm>> -> memref<128x64xf32, #tpu.memory_space<hbm>>
        %dma_wait3A_657 = arith.constant 0 : i32
        %dma_wait3A_658 = arith.constant 0 : i32
        %dma_wait3A_659 = tpu.memref_slice %arg9[%dma_wait3A_645, %dma_wait3A_657, %dma_wait3A_658] : memref<200x4096x192xf32, #tpu.memory_space<hbm>> -> memref<1x128x192xf32, #tpu.memory_space<hbm>>
        %dma_wait3A_660 = tpu.memref_squeeze %dma_wait3A_659 : memref<1x128x192xf32, #tpu.memory_space<hbm>> -> memref<128x192xf32, #tpu.memory_space<hbm>>
        %dma_wait3A_661 = arith.constant 0 : i32
        %dma_wait3A_662 = arith.constant 64 : i32
        %dma_wait3A_663 = tpu.memref_slice %dma_wait3A_660[%dma_wait3A_661, %dma_wait3A_662] : memref<128x192xf32, #tpu.memory_space<hbm>> -> memref<128x64xf32, #tpu.memory_space<hbm>>
        %dma_wait3A_664 = arith.constant 0 : i32
        %dma_wait3A_665 = arith.constant 0 : i32
        %dma_wait3A_666 = tpu.memref_slice %arg13[%dma_wait3A_644, %dma_wait3A_664, %dma_wait3A_665] : memref<2x128x64xf32, #tpu.memory_space<vmem>> -> memref<1x128x64xf32, #tpu.memory_space<vmem>>
        %dma_wait3A_667 = tpu.memref_squeeze %dma_wait3A_666 : memref<1x128x64xf32, #tpu.memory_space<vmem>> -> memref<128x64xf32, #tpu.memory_space<vmem>>
        tpu.wait_dma2 semaphore(%arg18 : memref<!tpu.dma_semaphore, #tpu.memory_space<semaphore_mem>>) src(%dma_wait3A_667 : memref<128x64xf32, #tpu.memory_space<vmem>>) dst(%dma_wait3A_663 : memref<128x64xf32, #tpu.memory_space<hbm>>)
        %dma_wait3A_668 = arith.constant 1 : i32
        %dma_wait3A_669 = arith.constant 0 : i32
        %dma_wait3A_670 = arith.constant 0 : i32
        %dma_wait3A_671 = arith.constant 0 : i32
        %dma_wait3A_672 = tpu.memref_slice %arg14[%dma_wait3A_668, %dma_wait3A_670, %dma_wait3A_671] : memref<2x128x64xf32, #tpu.memory_space<vmem>> -> memref<1x128x64xf32, #tpu.memory_space<vmem>>
        %dma_wait3A_673 = tpu.memref_squeeze %dma_wait3A_672 : memref<1x128x64xf32, #tpu.memory_space<vmem>> -> memref<128x64xf32, #tpu.memory_space<vmem>>
        %dma_wait3A_674 = arith.constant 0 : i32
        %dma_wait3A_675 = arith.constant 0 : i32
        %dma_wait3A_676 = tpu.memref_slice %arg9[%dma_wait3A_669, %dma_wait3A_674, %dma_wait3A_675] : memref<200x4096x192xf32, #tpu.memory_space<hbm>> -> memref<1x128x192xf32, #tpu.memory_space<hbm>>
        %dma_wait3A_677 = tpu.memref_squeeze %dma_wait3A_676 : memref<1x128x192xf32, #tpu.memory_space<hbm>> -> memref<128x192xf32, #tpu.memory_space<hbm>>
        %dma_wait3A_678 = arith.constant 0 : i32
        %dma_wait3A_679 = arith.constant 128 : i32
        %dma_wait3A_680 = tpu.memref_slice %dma_wait3A_677[%dma_wait3A_678, %dma_wait3A_679] : memref<128x192xf32, #tpu.memory_space<hbm>> -> memref<128x64xf32, #tpu.memory_space<hbm>>
        %dma_wait3A_681 = arith.constant 0 : i32
        %dma_wait3A_682 = arith.constant 0 : i32
        %dma_wait3A_683 = tpu.memref_slice %arg9[%dma_wait3A_669, %dma_wait3A_681, %dma_wait3A_682] : memref<200x4096x192xf32, #tpu.memory_space<hbm>> -> memref<1x128x192xf32, #tpu.memory_space<hbm>>
        %dma_wait3A_684 = tpu.memref_squeeze %dma_wait3A_683 : memref<1x128x192xf32, #tpu.memory_space<hbm>> -> memref<128x192xf32, #tpu.memory_space<hbm>>
        %dma_wait3A_685 = arith.constant 0 : i32
        %dma_wait3A_686 = arith.constant 128 : i32
        %dma_wait3A_687 = tpu.memref_slice %dma_wait3A_684[%dma_wait3A_685, %dma_wait3A_686] : memref<128x192xf32, #tpu.memory_space<hbm>> -> memref<128x64xf32, #tpu.memory_space<hbm>>
        %dma_wait3A_688 = arith.constant 0 : i32
        %dma_wait3A_689 = arith.constant 0 : i32
        %dma_wait3A_690 = tpu.memref_slice %arg14[%dma_wait3A_668, %dma_wait3A_688, %dma_wait3A_689] : memref<2x128x64xf32, #tpu.memory_space<vmem>> -> memref<1x128x64xf32, #tpu.memory_space<vmem>>
        %dma_wait3A_691 = tpu.memref_squeeze %dma_wait3A_690 : memref<1x128x64xf32, #tpu.memory_space<vmem>> -> memref<128x64xf32, #tpu.memory_space<vmem>>
        tpu.wait_dma2 semaphore(%arg18 : memref<!tpu.dma_semaphore, #tpu.memory_space<semaphore_mem>>) src(%dma_wait3A_691 : memref<128x64xf32, #tpu.memory_space<vmem>>) dst(%dma_wait3A_687 : memref<128x64xf32, #tpu.memory_space<hbm>>)
      } else {
      }
      %add3A_265 = arith.constant 1 : i32
      %add3A_266 = arith.addi %add3A_262, %add3A_265 : i32
      %lt3A = arith.constant 200 : i32
      %lt3A_267 = arith.cmpi slt, %add3A_266, %lt3A : i32
      %convert_element_type3A_268 = arith.extui %lt3A_267 : i1 to i32
      %cond3A_269 = arith.constant 0 : i32
      %cond3A_270 = arith.cmpi ne, %convert_element_type3A_268, %cond3A_269 : i32
      scf.if %cond3A_270 {
        %dma_wait3A_620 = arith.constant 1 : i32
        %dma_wait3A_621 = arith.constant 0 : i32
        %dma_wait3A_622 = arith.constant 0 : i32
        %dma_wait3A_623 = tpu.memref_slice %arg10[%dma_wait3A_620, %dma_wait3A_621, %dma_wait3A_622] : memref<2x4x128xi32, #tpu.memory_space<vmem>> -> memref<1x1x128xi32, #tpu.memory_space<vmem>>
        %dma_wait3A_624 = tpu.memref_squeeze %dma_wait3A_623 : memref<1x1x128xi32, #tpu.memory_space<vmem>> -> memref<128xi32, #tpu.memory_space<vmem>>
        %dma_wait3A_625 = arith.constant 0 : i32
        %dma_wait3A_626 = tpu.memref_slice %arg2[%dma_wait3A_625] : memref<819200xi32, #tpu.memory_space<hbm>> -> memref<128xi32, #tpu.memory_space<hbm>>
        %dma_wait3A_627 = arith.constant 0 : i32
        %dma_wait3A_628 = tpu.memref_slice %arg10[%dma_wait3A_620, %dma_wait3A_621, %dma_wait3A_627] : memref<2x4x128xi32, #tpu.memory_space<vmem>> -> memref<1x1x128xi32, #tpu.memory_space<vmem>>
        %dma_wait3A_629 = tpu.memref_squeeze %dma_wait3A_628 : memref<1x1x128xi32, #tpu.memory_space<vmem>> -> memref<128xi32, #tpu.memory_space<vmem>>
        %dma_wait3A_630 = arith.constant 0 : i32
        %dma_wait3A_631 = tpu.memref_slice %arg2[%dma_wait3A_630] : memref<819200xi32, #tpu.memory_space<hbm>> -> memref<128xi32, #tpu.memory_space<hbm>>
        tpu.wait_dma2 semaphore(%arg20 : memref<!tpu.dma_semaphore, #tpu.memory_space<semaphore_mem>>) src(%dma_wait3A_631 : memref<128xi32, #tpu.memory_space<hbm>>) dst(%dma_wait3A_629 : memref<128xi32, #tpu.memory_space<vmem>>)
        %dma_wait3A_632 = arith.constant 1 : i32
        %dma_wait3A_633 = arith.constant 1 : i32
        %dma_wait3A_634 = arith.constant 0 : i32
        %dma_wait3A_635 = tpu.memref_slice %arg10[%dma_wait3A_632, %dma_wait3A_633, %dma_wait3A_634] : memref<2x4x128xi32, #tpu.memory_space<vmem>> -> memref<1x1x128xi32, #tpu.memory_space<vmem>>
        %dma_wait3A_636 = tpu.memref_squeeze %dma_wait3A_635 : memref<1x1x128xi32, #tpu.memory_space<vmem>> -> memref<128xi32, #tpu.memory_space<vmem>>
        %dma_wait3A_637 = arith.constant 0 : i32
        %dma_wait3A_638 = tpu.memref_slice %arg3[%dma_wait3A_637] : memref<819200xi32, #tpu.memory_space<hbm>> -> memref<128xi32, #tpu.memory_space<hbm>>
        %dma_wait3A_639 = arith.constant 0 : i32
        %dma_wait3A_640 = tpu.memref_slice %arg10[%dma_wait3A_632, %dma_wait3A_633, %dma_wait3A_639] : memref<2x4x128xi32, #tpu.memory_space<vmem>> -> memref<1x1x128xi32, #tpu.memory_space<vmem>>
        %dma_wait3A_641 = tpu.memref_squeeze %dma_wait3A_640 : memref<1x1x128xi32, #tpu.memory_space<vmem>> -> memref<128xi32, #tpu.memory_space<vmem>>
        %dma_wait3A_642 = arith.constant 0 : i32
        %dma_wait3A_643 = tpu.memref_slice %arg3[%dma_wait3A_642] : memref<819200xi32, #tpu.memory_space<hbm>> -> memref<128xi32, #tpu.memory_space<hbm>>
        tpu.wait_dma2 semaphore(%arg20 : memref<!tpu.dma_semaphore, #tpu.memory_space<semaphore_mem>>) src(%dma_wait3A_643 : memref<128xi32, #tpu.memory_space<hbm>>) dst(%dma_wait3A_641 : memref<128xi32, #tpu.memory_space<vmem>>)
        %dma_wait3A_644 = arith.constant 1 : i32
        %dma_wait3A_645 = arith.constant 2 : i32
        %dma_wait3A_646 = arith.constant 0 : i32
        %dma_wait3A_647 = tpu.memref_slice %arg10[%dma_wait3A_644, %dma_wait3A_645, %dma_wait3A_646] : memref<2x4x128xi32, #tpu.memory_space<vmem>> -> memref<1x1x128xi32, #tpu.memory_space<vmem>>
        %dma_wait3A_648 = tpu.memref_squeeze %dma_wait3A_647 : memref<1x1x128xi32, #tpu.memory_space<vmem>> -> memref<128xi32, #tpu.memory_space<vmem>>
        %dma_wait3A_649 = arith.constant 0 : i32
        %dma_wait3A_650 = tpu.memref_slice %arg4[%dma_wait3A_649] : memref<819200xi32, #tpu.memory_space<hbm>> -> memref<128xi32, #tpu.memory_space<hbm>>
        %dma_wait3A_651 = arith.constant 0 : i32
        %dma_wait3A_652 = tpu.memref_slice %arg10[%dma_wait3A_644, %dma_wait3A_645, %dma_wait3A_651] : memref<2x4x128xi32, #tpu.memory_space<vmem>> -> memref<1x1x128xi32, #tpu.memory_space<vmem>>
        %dma_wait3A_653 = tpu.memref_squeeze %dma_wait3A_652 : memref<1x1x128xi32, #tpu.memory_space<vmem>> -> memref<128xi32, #tpu.memory_space<vmem>>
        %dma_wait3A_654 = arith.constant 0 : i32
        %dma_wait3A_655 = tpu.memref_slice %arg4[%dma_wait3A_654] : memref<819200xi32, #tpu.memory_space<hbm>> -> memref<128xi32, #tpu.memory_space<hbm>>
        tpu.wait_dma2 semaphore(%arg20 : memref<!tpu.dma_semaphore, #tpu.memory_space<semaphore_mem>>) src(%dma_wait3A_655 : memref<128xi32, #tpu.memory_space<hbm>>) dst(%dma_wait3A_653 : memref<128xi32, #tpu.memory_space<vmem>>)
        %dma_wait3A_656 = arith.constant 1 : i32
        %dma_wait3A_657 = arith.constant 3 : i32
        %dma_wait3A_658 = arith.constant 0 : i32
        %dma_wait3A_659 = tpu.memref_slice %arg10[%dma_wait3A_656, %dma_wait3A_657, %dma_wait3A_658] : memref<2x4x128xi32, #tpu.memory_space<vmem>> -> memref<1x1x128xi32, #tpu.memory_space<vmem>>
        %dma_wait3A_660 = tpu.memref_squeeze %dma_wait3A_659 : memref<1x1x128xi32, #tpu.memory_space<vmem>> -> memref<128xi32, #tpu.memory_space<vmem>>
        %dma_wait3A_661 = arith.constant 0 : i32
        %dma_wait3A_662 = tpu.memref_slice %arg5[%dma_wait3A_661] : memref<819200xi32, #tpu.memory_space<hbm>> -> memref<128xi32, #tpu.memory_space<hbm>>
        %dma_wait3A_663 = arith.constant 0 : i32
        %dma_wait3A_664 = tpu.memref_slice %arg10[%dma_wait3A_656, %dma_wait3A_657, %dma_wait3A_663] : memref<2x4x128xi32, #tpu.memory_space<vmem>> -> memref<1x1x128xi32, #tpu.memory_space<vmem>>
        %dma_wait3A_665 = tpu.memref_squeeze %dma_wait3A_664 : memref<1x1x128xi32, #tpu.memory_space<vmem>> -> memref<128xi32, #tpu.memory_space<vmem>>
        %dma_wait3A_666 = arith.constant 0 : i32
        %dma_wait3A_667 = tpu.memref_slice %arg5[%dma_wait3A_666] : memref<819200xi32, #tpu.memory_space<hbm>> -> memref<128xi32, #tpu.memory_space<hbm>>
        tpu.wait_dma2 semaphore(%arg20 : memref<!tpu.dma_semaphore, #tpu.memory_space<semaphore_mem>>) src(%dma_wait3A_667 : memref<128xi32, #tpu.memory_space<hbm>>) dst(%dma_wait3A_665 : memref<128xi32, #tpu.memory_space<vmem>>)
        %dma_start3A_668 = arith.constant 1 : i32
        %dma_start3A_669 = arith.constant 0 : i32
        %dma_start3A_670 = arith.constant 1 : i32
        %dma_start3A_671 = arith.constant 0 : i32
        %dma_start3A_672 = arith.constant 0 : i32
        %dma_start3A_673 = tpu.memref_slice %arg11[%dma_start3A_670, %dma_start3A_671, %dma_start3A_672] : memref<2x128x64xf32, #tpu.memory_space<vmem>> -> memref<1x128x64xf32, #tpu.memory_space<vmem>>
        %dma_start3A_674 = tpu.memref_squeeze %dma_start3A_673 : memref<1x128x64xf32, #tpu.memory_space<vmem>> -> memref<128x64xf32, #tpu.memory_space<vmem>>
        %dma_start3A_675 = arith.constant 0 : i32
        %dma_start3A_676 = tpu.memref_slice %arg10[%dma_start3A_668, %dma_start3A_669, %dma_start3A_675] : memref<2x4x128xi32, #tpu.memory_space<vmem>> -> memref<1x1x128xi32, #tpu.memory_space<vmem>>
        %dma_start3A_677 = tpu.memref_squeeze %dma_start3A_676 : memref<1x1x128xi32, #tpu.memory_space<vmem>> -> memref<128xi32, #tpu.memory_space<vmem>>
        %dma_start3A_678 = arith.constant 0 : i32
        %dma_start3A_679 = arith.constant 0 : i32
        %dma_start3A_680 = tpu.memref_slice %arg6[%dma_start3A_678, %dma_start3A_679] : memref<100000x64xf32, #tpu.memory_space<hbm>> -> memref<100000x64xf32, #tpu.memory_space<hbm>>
        tpu.enqueue_indirect_dma source(%dma_start3A_680 : memref<100000x64xf32, #tpu.memory_space<hbm>>) target(%dma_start3A_674 : memref<128x64xf32, #tpu.memory_space<vmem>>) offsets(%dma_start3A_677 : memref<128xi32, #tpu.memory_space<vmem>>) semaphore(%arg16 : memref<!tpu.dma_semaphore, #tpu.memory_space<semaphore_mem>>)
        %dma_start3A_681 = arith.constant 1 : i32
        %dma_start3A_682 = arith.constant 1 : i32
        %dma_start3A_683 = arith.constant 1 : i32
        %dma_start3A_684 = arith.constant 0 : i32
        %dma_start3A_685 = arith.constant 0 : i32
        %dma_start3A_686 = tpu.memref_slice %arg12[%dma_start3A_683, %dma_start3A_684, %dma_start3A_685] : memref<2x128x64xf32, #tpu.memory_space<vmem>> -> memref<1x128x64xf32, #tpu.memory_space<vmem>>
        %dma_start3A_687 = tpu.memref_squeeze %dma_start3A_686 : memref<1x128x64xf32, #tpu.memory_space<vmem>> -> memref<128x64xf32, #tpu.memory_space<vmem>>
        %dma_start3A_688 = arith.constant 0 : i32
        %dma_start3A_689 = tpu.memref_slice %arg10[%dma_start3A_681, %dma_start3A_682, %dma_start3A_688] : memref<2x4x128xi32, #tpu.memory_space<vmem>> -> memref<1x1x128xi32, #tpu.memory_space<vmem>>
        %dma_start3A_690 = tpu.memref_squeeze %dma_start3A_689 : memref<1x1x128xi32, #tpu.memory_space<vmem>> -> memref<128xi32, #tpu.memory_space<vmem>>
        %dma_start3A_691 = arith.constant 0 : i32
        %dma_start3A_692 = arith.constant 0 : i32
        %dma_start3A_693 = tpu.memref_slice %arg7[%dma_start3A_691, %dma_start3A_692] : memref<100001x64xf32, #tpu.memory_space<hbm>> -> memref<100001x64xf32, #tpu.memory_space<hbm>>
        tpu.enqueue_indirect_dma source(%dma_start3A_693 : memref<100001x64xf32, #tpu.memory_space<hbm>>) target(%dma_start3A_687 : memref<128x64xf32, #tpu.memory_space<vmem>>) offsets(%dma_start3A_690 : memref<128xi32, #tpu.memory_space<vmem>>) semaphore(%arg16 : memref<!tpu.dma_semaphore, #tpu.memory_space<semaphore_mem>>)
        %dma_start3A_694 = arith.constant 1 : i32
        %dma_start3A_695 = arith.constant 2 : i32
        %dma_start3A_696 = arith.constant 1 : i32
        %dma_start3A_697 = arith.constant 0 : i32
        %dma_start3A_698 = arith.constant 0 : i32
        %dma_start3A_699 = tpu.memref_slice %arg13[%dma_start3A_696, %dma_start3A_697, %dma_start3A_698] : memref<2x128x64xf32, #tpu.memory_space<vmem>> -> memref<1x128x64xf32, #tpu.memory_space<vmem>>
        %dma_start3A_700 = tpu.memref_squeeze %dma_start3A_699 : memref<1x128x64xf32, #tpu.memory_space<vmem>> -> memref<128x64xf32, #tpu.memory_space<vmem>>
        %dma_start3A_701 = arith.constant 0 : i32
        %dma_start3A_702 = tpu.memref_slice %arg10[%dma_start3A_694, %dma_start3A_695, %dma_start3A_701] : memref<2x4x128xi32, #tpu.memory_space<vmem>> -> memref<1x1x128xi32, #tpu.memory_space<vmem>>
        %dma_start3A_703 = tpu.memref_squeeze %dma_start3A_702 : memref<1x1x128xi32, #tpu.memory_space<vmem>> -> memref<128xi32, #tpu.memory_space<vmem>>
        %dma_start3A_704 = arith.constant 0 : i32
        %dma_start3A_705 = arith.constant 0 : i32
        %dma_start3A_706 = tpu.memref_slice %arg8[%dma_start3A_704, %dma_start3A_705] : memref<1000x64xf32, #tpu.memory_space<hbm>> -> memref<1000x64xf32, #tpu.memory_space<hbm>>
        tpu.enqueue_indirect_dma source(%dma_start3A_706 : memref<1000x64xf32, #tpu.memory_space<hbm>>) target(%dma_start3A_700 : memref<128x64xf32, #tpu.memory_space<vmem>>) offsets(%dma_start3A_703 : memref<128xi32, #tpu.memory_space<vmem>>) semaphore(%arg16 : memref<!tpu.dma_semaphore, #tpu.memory_space<semaphore_mem>>)
        %dma_start3A_707 = arith.constant 1 : i32
        %dma_start3A_708 = arith.constant 3 : i32
        %dma_start3A_709 = arith.constant 1 : i32
        %dma_start3A_710 = arith.constant 0 : i32
        %dma_start3A_711 = arith.constant 0 : i32
        %dma_start3A_712 = tpu.memref_slice %arg14[%dma_start3A_709, %dma_start3A_710, %dma_start3A_711] : memref<2x128x64xf32, #tpu.memory_space<vmem>> -> memref<1x128x64xf32, #tpu.memory_space<vmem>>
        %dma_start3A_713 = tpu.memref_squeeze %dma_start3A_712 : memref<1x128x64xf32, #tpu.memory_space<vmem>> -> memref<128x64xf32, #tpu.memory_space<vmem>>
        %dma_start3A_714 = arith.constant 0 : i32
        %dma_start3A_715 = tpu.memref_slice %arg10[%dma_start3A_707, %dma_start3A_708, %dma_start3A_714] : memref<2x4x128xi32, #tpu.memory_space<vmem>> -> memref<1x1x128xi32, #tpu.memory_space<vmem>>
        %dma_start3A_716 = tpu.memref_squeeze %dma_start3A_715 : memref<1x1x128xi32, #tpu.memory_space<vmem>> -> memref<128xi32, #tpu.memory_space<vmem>>
        %dma_start3A_717 = arith.constant 0 : i32
        %dma_start3A_718 = arith.constant 0 : i32
        %dma_start3A_719 = tpu.memref_slice %arg6[%dma_start3A_717, %dma_start3A_718] : memref<100000x64xf32, #tpu.memory_space<hbm>> -> memref<100000x64xf32, #tpu.memory_space<hbm>>
        tpu.enqueue_indirect_dma source(%dma_start3A_719 : memref<100000x64xf32, #tpu.memory_space<hbm>>) target(%dma_start3A_713 : memref<128x64xf32, #tpu.memory_space<vmem>>) offsets(%dma_start3A_716 : memref<128xi32, #tpu.memory_space<vmem>>) semaphore(%arg16 : memref<!tpu.dma_semaphore, #tpu.memory_space<semaphore_mem>>)
      } else {
      }
      %dma_wait3A_271 = arith.constant 0 : i32
      %dma_wait3A_272 = arith.constant 0 : i32
      %dma_wait3A_273 = arith.constant 0 : i32
      %dma_wait3A_274 = arith.constant 0 : i32
      %dma_wait3A_275 = arith.constant 0 : i32
      %dma_wait3A_276 = tpu.memref_slice %arg11[%dma_wait3A_273, %dma_wait3A_274, %dma_wait3A_275] : memref<2x128x64xf32, #tpu.memory_space<vmem>> -> memref<1x128x64xf32, #tpu.memory_space<vmem>>
      %dma_wait3A_277 = tpu.memref_squeeze %dma_wait3A_276 : memref<1x128x64xf32, #tpu.memory_space<vmem>> -> memref<128x64xf32, #tpu.memory_space<vmem>>
      %dma_wait3A_278 = arith.constant 0 : i32
      %dma_wait3A_279 = tpu.memref_slice %arg10[%dma_wait3A_271, %dma_wait3A_272, %dma_wait3A_278] : memref<2x4x128xi32, #tpu.memory_space<vmem>> -> memref<1x1x128xi32, #tpu.memory_space<vmem>>
      %dma_wait3A_280 = tpu.memref_squeeze %dma_wait3A_279 : memref<1x1x128xi32, #tpu.memory_space<vmem>> -> memref<128xi32, #tpu.memory_space<vmem>>
      %dma_wait3A_281 = arith.constant 0 : i32
      %dma_wait3A_282 = arith.constant 0 : i32
      %dma_wait3A_283 = tpu.memref_slice %arg6[%dma_wait3A_281, %dma_wait3A_282] : memref<100000x64xf32, #tpu.memory_space<hbm>> -> memref<100000x64xf32, #tpu.memory_space<hbm>>
      tpu.wait_indirect_dma semaphore(%arg15 : memref<!tpu.dma_semaphore, #tpu.memory_space<semaphore_mem>>) src(%dma_wait3A_283 : memref<100000x64xf32, #tpu.memory_space<hbm>>) dst(%dma_wait3A_277 : memref<128x64xf32, #tpu.memory_space<vmem>>)
      %dma_wait3A_284 = arith.constant 0 : i32
      %dma_wait3A_285 = arith.constant 1 : i32
      %dma_wait3A_286 = arith.constant 0 : i32
      %dma_wait3A_287 = arith.constant 0 : i32
      %dma_wait3A_288 = arith.constant 0 : i32
      %dma_wait3A_289 = tpu.memref_slice %arg12[%dma_wait3A_286, %dma_wait3A_287, %dma_wait3A_288] : memref<2x128x64xf32, #tpu.memory_space<vmem>> -> memref<1x128x64xf32, #tpu.memory_space<vmem>>
      %dma_wait3A_290 = tpu.memref_squeeze %dma_wait3A_289 : memref<1x128x64xf32, #tpu.memory_space<vmem>> -> memref<128x64xf32, #tpu.memory_space<vmem>>
      %dma_wait3A_291 = arith.constant 0 : i32
      %dma_wait3A_292 = tpu.memref_slice %arg10[%dma_wait3A_284, %dma_wait3A_285, %dma_wait3A_291] : memref<2x4x128xi32, #tpu.memory_space<vmem>> -> memref<1x1x128xi32, #tpu.memory_space<vmem>>
      %dma_wait3A_293 = tpu.memref_squeeze %dma_wait3A_292 : memref<1x1x128xi32, #tpu.memory_space<vmem>> -> memref<128xi32, #tpu.memory_space<vmem>>
      %dma_wait3A_294 = arith.constant 0 : i32
      %dma_wait3A_295 = arith.constant 0 : i32
      %dma_wait3A_296 = tpu.memref_slice %arg7[%dma_wait3A_294, %dma_wait3A_295] : memref<100001x64xf32, #tpu.memory_space<hbm>> -> memref<100001x64xf32, #tpu.memory_space<hbm>>
      tpu.wait_indirect_dma semaphore(%arg15 : memref<!tpu.dma_semaphore, #tpu.memory_space<semaphore_mem>>) src(%dma_wait3A_296 : memref<100001x64xf32, #tpu.memory_space<hbm>>) dst(%dma_wait3A_290 : memref<128x64xf32, #tpu.memory_space<vmem>>)
      %dma_wait3A_297 = arith.constant 0 : i32
      %dma_wait3A_298 = arith.constant 2 : i32
      %dma_wait3A_299 = arith.constant 0 : i32
      %dma_wait3A_300 = arith.constant 0 : i32
      %dma_wait3A_301 = arith.constant 0 : i32
      %dma_wait3A_302 = tpu.memref_slice %arg13[%dma_wait3A_299, %dma_wait3A_300, %dma_wait3A_301] : memref<2x128x64xf32, #tpu.memory_space<vmem>> -> memref<1x128x64xf32, #tpu.memory_space<vmem>>
      %dma_wait3A_303 = tpu.memref_squeeze %dma_wait3A_302 : memref<1x128x64xf32, #tpu.memory_space<vmem>> -> memref<128x64xf32, #tpu.memory_space<vmem>>
      %dma_wait3A_304 = arith.constant 0 : i32
      %dma_wait3A_305 = tpu.memref_slice %arg10[%dma_wait3A_297, %dma_wait3A_298, %dma_wait3A_304] : memref<2x4x128xi32, #tpu.memory_space<vmem>> -> memref<1x1x128xi32, #tpu.memory_space<vmem>>
      %dma_wait3A_306 = tpu.memref_squeeze %dma_wait3A_305 : memref<1x1x128xi32, #tpu.memory_space<vmem>> -> memref<128xi32, #tpu.memory_space<vmem>>
      %dma_wait3A_307 = arith.constant 0 : i32
      %dma_wait3A_308 = arith.constant 0 : i32
      %dma_wait3A_309 = tpu.memref_slice %arg8[%dma_wait3A_307, %dma_wait3A_308] : memref<1000x64xf32, #tpu.memory_space<hbm>> -> memref<1000x64xf32, #tpu.memory_space<hbm>>
      tpu.wait_indirect_dma semaphore(%arg15 : memref<!tpu.dma_semaphore, #tpu.memory_space<semaphore_mem>>) src(%dma_wait3A_309 : memref<1000x64xf32, #tpu.memory_space<hbm>>) dst(%dma_wait3A_303 : memref<128x64xf32, #tpu.memory_space<vmem>>)
      %dma_wait3A_310 = arith.constant 0 : i32
      %dma_wait3A_311 = arith.constant 3 : i32
      %dma_wait3A_312 = arith.constant 0 : i32
      %dma_wait3A_313 = arith.constant 0 : i32
      %dma_wait3A_314 = arith.constant 0 : i32
      %dma_wait3A_315 = tpu.memref_slice %arg14[%dma_wait3A_312, %dma_wait3A_313, %dma_wait3A_314] : memref<2x128x64xf32, #tpu.memory_space<vmem>> -> memref<1x128x64xf32, #tpu.memory_space<vmem>>
      %dma_wait3A_316 = tpu.memref_squeeze %dma_wait3A_315 : memref<1x128x64xf32, #tpu.memory_space<vmem>> -> memref<128x64xf32, #tpu.memory_space<vmem>>
      %dma_wait3A_317 = arith.constant 0 : i32
      %dma_wait3A_318 = tpu.memref_slice %arg10[%dma_wait3A_310, %dma_wait3A_311, %dma_wait3A_317] : memref<2x4x128xi32, #tpu.memory_space<vmem>> -> memref<1x1x128xi32, #tpu.memory_space<vmem>>
      %dma_wait3A_319 = tpu.memref_squeeze %dma_wait3A_318 : memref<1x1x128xi32, #tpu.memory_space<vmem>> -> memref<128xi32, #tpu.memory_space<vmem>>
      %dma_wait3A_320 = arith.constant 0 : i32
      %dma_wait3A_321 = arith.constant 0 : i32
      %dma_wait3A_322 = tpu.memref_slice %arg6[%dma_wait3A_320, %dma_wait3A_321] : memref<100000x64xf32, #tpu.memory_space<hbm>> -> memref<100000x64xf32, #tpu.memory_space<hbm>>
      tpu.wait_indirect_dma semaphore(%arg15 : memref<!tpu.dma_semaphore, #tpu.memory_space<semaphore_mem>>) src(%dma_wait3A_322 : memref<100000x64xf32, #tpu.memory_space<hbm>>) dst(%dma_wait3A_316 : memref<128x64xf32, #tpu.memory_space<vmem>>)
      %add3A_323 = arith.constant 2 : i32
      %add3A_324 = arith.addi %add3A_262, %add3A_323 : i32
      %lt3A_325 = arith.constant 200 : i32
      %lt3A_326 = arith.cmpi slt, %add3A_324, %lt3A_325 : i32
      %convert_element_type3A_327 = arith.extui %lt3A_326 : i1 to i32
      %cond3A_328 = arith.constant 0 : i32
      %cond3A_329 = arith.cmpi ne, %convert_element_type3A_327, %cond3A_328 : i32
      scf.if %cond3A_329 {
        %add3A_620 = arith.addi %mul3A_2, %add3A_262 : i32
        %add3A_621 = arith.constant 2 : i32
        %add3A_622 = arith.addi %add3A_620, %add3A_621 : i32
        %mul3A_623 = arith.constant 128 : i32
        %mul3A_624 = arith.muli %add3A_622, %mul3A_623 : i32
        %dma_start3A_625 = arith.constant 0 : i32
        %dma_start3A_626 = arith.constant 0 : i32
        %dma_start3A_627 = arith.constant 0 : i32
        %dma_start3A_628 = tpu.memref_slice %arg10[%dma_start3A_625, %dma_start3A_626, %dma_start3A_627] : memref<2x4x128xi32, #tpu.memory_space<vmem>> -> memref<1x1x128xi32, #tpu.memory_space<vmem>>
        %dma_start3A_629 = tpu.memref_squeeze %dma_start3A_628 : memref<1x1x128xi32, #tpu.memory_space<vmem>> -> memref<128xi32, #tpu.memory_space<vmem>>
        %dma_start3A_630 = tpu.memref_slice %arg2[%mul3A_624] : memref<819200xi32, #tpu.memory_space<hbm>> -> memref<128xi32, #tpu.memory_space<hbm>>
        %dma_start3A_631 = arith.constant 0 : i32
        %dma_start3A_632 = tpu.memref_slice %arg10[%dma_start3A_625, %dma_start3A_626, %dma_start3A_631] : memref<2x4x128xi32, #tpu.memory_space<vmem>> -> memref<1x1x128xi32, #tpu.memory_space<vmem>>
        %dma_start3A_633 = tpu.memref_squeeze %dma_start3A_632 : memref<1x1x128xi32, #tpu.memory_space<vmem>> -> memref<128xi32, #tpu.memory_space<vmem>>
        %dma_start3A_634 = tpu.memref_slice %arg2[%mul3A_624] : memref<819200xi32, #tpu.memory_space<hbm>> -> memref<128xi32, #tpu.memory_space<hbm>>
        tpu.enqueue_dma source(%dma_start3A_634 : memref<128xi32, #tpu.memory_space<hbm>>) target(%dma_start3A_633 : memref<128xi32, #tpu.memory_space<vmem>>) target_semaphore(%arg19 : memref<!tpu.dma_semaphore, #tpu.memory_space<semaphore_mem>>)
        %dma_start3A_635 = arith.constant 0 : i32
        %dma_start3A_636 = arith.constant 1 : i32
        %dma_start3A_637 = arith.constant 0 : i32
        %dma_start3A_638 = tpu.memref_slice %arg10[%dma_start3A_635, %dma_start3A_636, %dma_start3A_637] : memref<2x4x128xi32, #tpu.memory_space<vmem>> -> memref<1x1x128xi32, #tpu.memory_space<vmem>>
        %dma_start3A_639 = tpu.memref_squeeze %dma_start3A_638 : memref<1x1x128xi32, #tpu.memory_space<vmem>> -> memref<128xi32, #tpu.memory_space<vmem>>
        %dma_start3A_640 = tpu.memref_slice %arg3[%mul3A_624] : memref<819200xi32, #tpu.memory_space<hbm>> -> memref<128xi32, #tpu.memory_space<hbm>>
        %dma_start3A_641 = arith.constant 0 : i32
        %dma_start3A_642 = tpu.memref_slice %arg10[%dma_start3A_635, %dma_start3A_636, %dma_start3A_641] : memref<2x4x128xi32, #tpu.memory_space<vmem>> -> memref<1x1x128xi32, #tpu.memory_space<vmem>>
        %dma_start3A_643 = tpu.memref_squeeze %dma_start3A_642 : memref<1x1x128xi32, #tpu.memory_space<vmem>> -> memref<128xi32, #tpu.memory_space<vmem>>
        %dma_start3A_644 = tpu.memref_slice %arg3[%mul3A_624] : memref<819200xi32, #tpu.memory_space<hbm>> -> memref<128xi32, #tpu.memory_space<hbm>>
        tpu.enqueue_dma source(%dma_start3A_644 : memref<128xi32, #tpu.memory_space<hbm>>) target(%dma_start3A_643 : memref<128xi32, #tpu.memory_space<vmem>>) target_semaphore(%arg19 : memref<!tpu.dma_semaphore, #tpu.memory_space<semaphore_mem>>)
        %dma_start3A_645 = arith.constant 0 : i32
        %dma_start3A_646 = arith.constant 2 : i32
        %dma_start3A_647 = arith.constant 0 : i32
        %dma_start3A_648 = tpu.memref_slice %arg10[%dma_start3A_645, %dma_start3A_646, %dma_start3A_647] : memref<2x4x128xi32, #tpu.memory_space<vmem>> -> memref<1x1x128xi32, #tpu.memory_space<vmem>>
        %dma_start3A_649 = tpu.memref_squeeze %dma_start3A_648 : memref<1x1x128xi32, #tpu.memory_space<vmem>> -> memref<128xi32, #tpu.memory_space<vmem>>
        %dma_start3A_650 = tpu.memref_slice %arg4[%mul3A_624] : memref<819200xi32, #tpu.memory_space<hbm>> -> memref<128xi32, #tpu.memory_space<hbm>>
        %dma_start3A_651 = arith.constant 0 : i32
        %dma_start3A_652 = tpu.memref_slice %arg10[%dma_start3A_645, %dma_start3A_646, %dma_start3A_651] : memref<2x4x128xi32, #tpu.memory_space<vmem>> -> memref<1x1x128xi32, #tpu.memory_space<vmem>>
        %dma_start3A_653 = tpu.memref_squeeze %dma_start3A_652 : memref<1x1x128xi32, #tpu.memory_space<vmem>> -> memref<128xi32, #tpu.memory_space<vmem>>
        %dma_start3A_654 = tpu.memref_slice %arg4[%mul3A_624] : memref<819200xi32, #tpu.memory_space<hbm>> -> memref<128xi32, #tpu.memory_space<hbm>>
        tpu.enqueue_dma source(%dma_start3A_654 : memref<128xi32, #tpu.memory_space<hbm>>) target(%dma_start3A_653 : memref<128xi32, #tpu.memory_space<vmem>>) target_semaphore(%arg19 : memref<!tpu.dma_semaphore, #tpu.memory_space<semaphore_mem>>)
        %dma_start3A_655 = arith.constant 0 : i32
        %dma_start3A_656 = arith.constant 3 : i32
        %dma_start3A_657 = arith.constant 0 : i32
        %dma_start3A_658 = tpu.memref_slice %arg10[%dma_start3A_655, %dma_start3A_656, %dma_start3A_657] : memref<2x4x128xi32, #tpu.memory_space<vmem>> -> memref<1x1x128xi32, #tpu.memory_space<vmem>>
        %dma_start3A_659 = tpu.memref_squeeze %dma_start3A_658 : memref<1x1x128xi32, #tpu.memory_space<vmem>> -> memref<128xi32, #tpu.memory_space<vmem>>
        %dma_start3A_660 = tpu.memref_slice %arg5[%mul3A_624] : memref<819200xi32, #tpu.memory_space<hbm>> -> memref<128xi32, #tpu.memory_space<hbm>>
        %dma_start3A_661 = arith.constant 0 : i32
        %dma_start3A_662 = tpu.memref_slice %arg10[%dma_start3A_655, %dma_start3A_656, %dma_start3A_661] : memref<2x4x128xi32, #tpu.memory_space<vmem>> -> memref<1x1x128xi32, #tpu.memory_space<vmem>>
        %dma_start3A_663 = tpu.memref_squeeze %dma_start3A_662 : memref<1x1x128xi32, #tpu.memory_space<vmem>> -> memref<128xi32, #tpu.memory_space<vmem>>
        %dma_start3A_664 = tpu.memref_slice %arg5[%mul3A_624] : memref<819200xi32, #tpu.memory_space<hbm>> -> memref<128xi32, #tpu.memory_space<hbm>>
        tpu.enqueue_dma source(%dma_start3A_664 : memref<128xi32, #tpu.memory_space<hbm>>) target(%dma_start3A_663 : memref<128xi32, #tpu.memory_space<vmem>>) target_semaphore(%arg19 : memref<!tpu.dma_semaphore, #tpu.memory_space<semaphore_mem>>)
      } else {
      }
      %scan3A_330 = arith.constant 0 : i32
      %scan3A_331 = arith.constant 0 : i32
      %scan3A_332 = arith.constant 128 : i32
      %scan3A_333 = arith.addi %scan3A_331, %scan3A_332 : i32
      %scan3A_334 = arith.constant 1 : i32
      scf.for %scan3A_620 = %scan3A_331 to %scan3A_333 step %scan3A_334  : i32 {
        %get3A = arith.constant 0 : i32
        %get3A_621 = arith.index_cast %get3A : i32 to index
        %get3A_622 = arith.index_cast %scan3A_620 : i32 to index
        %get3A_623 = arith.constant 0 : index
        %get3A_624 = tpu.vector_load %arg11[%get3A_621, %get3A_622, %get3A_623] {strides = array<i32>} : memref<2x128x64xf32, #tpu.memory_space<vmem>>, vector<1x1x16xf32>,
        %get3A_625 = vector.shape_cast %get3A_624 : vector<1x1x16xf32> to vector<16xf32>
        %get3A_626 = arith.constant 0 : i32
        %get3A_627 = arith.index_cast %get3A_626 : i32 to index
        %get3A_628 = arith.index_cast %scan3A_620 : i32 to index
        %get3A_629 = arith.constant 0 : index
        %get3A_630 = tpu.vector_load %arg12[%get3A_627, %get3A_628, %get3A_629] {strides = array<i32>} : memref<2x128x64xf32, #tpu.memory_space<vmem>>, vector<1x1x16xf32>,
        %get3A_631 = vector.shape_cast %get3A_630 : vector<1x1x16xf32> to vector<16xf32>
        %add3A_632 = arith.addf %get3A_625, %get3A_631 : vector<16xf32>
        %swap3A = arith.constant 0 : i32
        %swap3A_633 = arith.index_cast %swap3A : i32 to index
        %swap3A_634 = arith.index_cast %scan3A_620 : i32 to index
        %swap3A_635 = arith.constant 0 : index
        %swap3A_636 = tpu.vector_load %arg11[%swap3A_633, %swap3A_634, %swap3A_635] {strides = array<i32>} : memref<2x128x64xf32, #tpu.memory_space<vmem>>, vector<1x1x16xf32>,
        %swap3A_637 = vector.shape_cast %swap3A_636 : vector<1x1x16xf32> to vector<16xf32>
        %swap3A_638 = vector.shape_cast %add3A_632 : vector<16xf32> to vector<1x1x16xf32>
        tpu.vector_store %arg11[%swap3A_633, %swap3A_634, %swap3A_635], %swap3A_638 {strides = array<i32>} : memref<2x128x64xf32, #tpu.memory_space<vmem>>, vector<1x1x16xf32>,
        %get3A_639 = arith.constant 0 : i32
        %get3A_640 = arith.index_cast %get3A_639 : i32 to index
        %get3A_641 = arith.index_cast %scan3A_620 : i32 to index
        %get3A_642 = arith.constant 16 : index
        %get3A_643 = tpu.vector_load %arg11[%get3A_640, %get3A_641, %get3A_642] {strides = array<i32>} : memref<2x128x64xf32, #tpu.memory_space<vmem>>, vector<1x1x16xf32>,
        %get3A_644 = vector.shape_cast %get3A_643 : vector<1x1x16xf32> to vector<16xf32>
        %get3A_645 = arith.constant 0 : i32
        %get3A_646 = arith.index_cast %get3A_645 : i32 to index
        %get3A_647 = arith.index_cast %scan3A_620 : i32 to index
        %get3A_648 = arith.constant 16 : index
        %get3A_649 = tpu.vector_load %arg12[%get3A_646, %get3A_647, %get3A_648] {strides = array<i32>} : memref<2x128x64xf32, #tpu.memory_space<vmem>>, vector<1x1x16xf32>,
        %get3A_650 = vector.shape_cast %get3A_649 : vector<1x1x16xf32> to vector<16xf32>
        %add3A_651 = arith.addf %get3A_644, %get3A_650 : vector<16xf32>
        %swap3A_652 = arith.constant 0 : i32
        %swap3A_653 = arith.index_cast %swap3A_652 : i32 to index
        %swap3A_654 = arith.index_cast %scan3A_620 : i32 to index
        %swap3A_655 = arith.constant 16 : index
        %swap3A_656 = tpu.vector_load %arg11[%swap3A_653, %swap3A_654, %swap3A_655] {strides = array<i32>} : memref<2x128x64xf32, #tpu.memory_space<vmem>>, vector<1x1x16xf32>,
        %swap3A_657 = vector.shape_cast %swap3A_656 : vector<1x1x16xf32> to vector<16xf32>
        %swap3A_658 = vector.shape_cast %add3A_651 : vector<16xf32> to vector<1x1x16xf32>
        tpu.vector_store %arg11[%swap3A_653, %swap3A_654, %swap3A_655], %swap3A_658 {strides = array<i32>} : memref<2x128x64xf32, #tpu.memory_space<vmem>>, vector<1x1x16xf32>,
        %get3A_659 = arith.constant 0 : i32
        %get3A_660 = arith.index_cast %get3A_659 : i32 to index
        %get3A_661 = arith.index_cast %scan3A_620 : i32 to index
        %get3A_662 = arith.constant 32 : index
        %get3A_663 = tpu.vector_load %arg11[%get3A_660, %get3A_661, %get3A_662] {strides = array<i32>} : memref<2x128x64xf32, #tpu.memory_space<vmem>>, vector<1x1x16xf32>,
        %get3A_664 = vector.shape_cast %get3A_663 : vector<1x1x16xf32> to vector<16xf32>
        %get3A_665 = arith.constant 0 : i32
        %get3A_666 = arith.index_cast %get3A_665 : i32 to index
        %get3A_667 = arith.index_cast %scan3A_620 : i32 to index
        %get3A_668 = arith.constant 32 : index
        %get3A_669 = tpu.vector_load %arg12[%get3A_666, %get3A_667, %get3A_668] {strides = array<i32>} : memref<2x128x64xf32, #tpu.memory_space<vmem>>, vector<1x1x16xf32>,
        %get3A_670 = vector.shape_cast %get3A_669 : vector<1x1x16xf32> to vector<16xf32>
        %add3A_671 = arith.addf %get3A_664, %get3A_670 : vector<16xf32>
        %swap3A_672 = arith.constant 0 : i32
        %swap3A_673 = arith.index_cast %swap3A_672 : i32 to index
        %swap3A_674 = arith.index_cast %scan3A_620 : i32 to index
        %swap3A_675 = arith.constant 32 : index
        %swap3A_676 = tpu.vector_load %arg11[%swap3A_673, %swap3A_674, %swap3A_675] {strides = array<i32>} : memref<2x128x64xf32, #tpu.memory_space<vmem>>, vector<1x1x16xf32>,
        %swap3A_677 = vector.shape_cast %swap3A_676 : vector<1x1x16xf32> to vector<16xf32>
        %swap3A_678 = vector.shape_cast %add3A_671 : vector<16xf32> to vector<1x1x16xf32>
        tpu.vector_store %arg11[%swap3A_673, %swap3A_674, %swap3A_675], %swap3A_678 {strides = array<i32>} : memref<2x128x64xf32, #tpu.memory_space<vmem>>, vector<1x1x16xf32>,
        %get3A_679 = arith.constant 0 : i32
        %get3A_680 = arith.index_cast %get3A_679 : i32 to index
        %get3A_681 = arith.index_cast %scan3A_620 : i32 to index
        %get3A_682 = arith.constant 48 : index
        %get3A_683 = tpu.vector_load %arg11[%get3A_680, %get3A_681, %get3A_682] {strides = array<i32>} : memref<2x128x64xf32, #tpu.memory_space<vmem>>, vector<1x1x16xf32>,
        %get3A_684 = vector.shape_cast %get3A_683 : vector<1x1x16xf32> to vector<16xf32>
        %get3A_685 = arith.constant 0 : i32
        %get3A_686 = arith.index_cast %get3A_685 : i32 to index
        %get3A_687 = arith.index_cast %scan3A_620 : i32 to index
        %get3A_688 = arith.constant 48 : index
        %get3A_689 = tpu.vector_load %arg12[%get3A_686, %get3A_687, %get3A_688] {strides = array<i32>} : memref<2x128x64xf32, #tpu.memory_space<vmem>>, vector<1x1x16xf32>,
        %get3A_690 = vector.shape_cast %get3A_689 : vector<1x1x16xf32> to vector<16xf32>
        %add3A_691 = arith.addf %get3A_684, %get3A_690 : vector<16xf32>
        %swap3A_692 = arith.constant 0 : i32
        %swap3A_693 = arith.index_cast %swap3A_692 : i32 to index
        %swap3A_694 = arith.index_cast %scan3A_620 : i32 to index
        %swap3A_695 = arith.constant 48 : index
        %swap3A_696 = tpu.vector_load %arg11[%swap3A_693, %swap3A_694, %swap3A_695] {strides = array<i32>} : memref<2x128x64xf32, #tpu.memory_space<vmem>>, vector<1x1x16xf32>,
        %swap3A_697 = vector.shape_cast %swap3A_696 : vector<1x1x16xf32> to vector<16xf32>
        %swap3A_698 = vector.shape_cast %add3A_691 : vector<16xf32> to vector<1x1x16xf32>
        tpu.vector_store %arg11[%swap3A_693, %swap3A_694, %swap3A_695], %swap3A_698 {strides = array<i32>} : memref<2x128x64xf32, #tpu.memory_space<vmem>>, vector<1x1x16xf32>,
      }
      %scan3A_335 = arith.constant 128 : i32
      %add3A_336 = arith.addi %mul3A_2, %add3A_262 : i32
      %jit3A = arith.constant 32 : i32
      %div3A = arith.divsi %add3A_336, %jit3A : i32
      %sign3A = arith.constant 0 : i32
      %sign3A_337 = arith.cmpi sgt, %add3A_336, %sign3A : i32
      %sign3A_338 = arith.extui %sign3A_337 : i1 to i32
      %sign3A_339 = arith.constant 0 : i32
      %sign3A_340 = arith.cmpi slt, %add3A_336, %sign3A_339 : i32
      %sign3A_341 = arith.extui %sign3A_340 : i1 to i32
      %sign3A_342 = arith.subi %sign3A_338, %sign3A_341 : i32
      %sign3A_343 = arith.constant 0 : i32
      %sign3A_344 = arith.cmpi sgt, %jit3A, %sign3A_343 : i32
      %sign3A_345 = arith.extui %sign3A_344 : i1 to i32
      %sign3A_346 = arith.constant 0 : i32
      %sign3A_347 = arith.cmpi slt, %jit3A, %sign3A_346 : i32
      %sign3A_348 = arith.extui %sign3A_347 : i1 to i32
      %sign3A_349 = arith.subi %sign3A_345, %sign3A_348 : i32
      %ne3A = arith.cmpi ne, %sign3A_342, %sign3A_349 : i32
      %rem3A = arith.remsi %add3A_336, %jit3A : i32
      %ne3A_350 = arith.constant 0 : i32
      %ne3A_351 = arith.cmpi ne, %rem3A, %ne3A_350 : i32
      %and3A = arith.andi %ne3A, %ne3A_351 : i1
      %sub3A = arith.constant 1 : i32
      %sub3A_352 = arith.subi %div3A, %sub3A : i32
      %select_n3A = arith.select %and3A, %sub3A_352, %div3A : i32
      %jit3A_353 = arith.constant 32 : i32
      %eq3A = arith.constant 0 : i32
      %eq3A_354 = arith.cmpi eq, %jit3A_353, %eq3A : i32
      %jit3A_355 = arith.constant 1 : i32
      %select_n3A_356 = arith.select %eq3A_354, %jit3A_355, %jit3A_353 : i32
      %rem3A_357 = arith.remsi %add3A_336, %select_n3A_356 : i32
      %ne3A_358 = arith.constant 0 : i32
      %ne3A_359 = arith.cmpi ne, %rem3A_357, %ne3A_358 : i32
      %lt3A_360 = arith.constant 0 : i32
      %lt3A_361 = arith.cmpi slt, %rem3A_357, %lt3A_360 : i32
      %lt3A_362 = arith.constant 0 : i32
      %lt3A_363 = arith.cmpi slt, %select_n3A_356, %lt3A_362 : i32
      %ne3A_364 = arith.xori %lt3A_361, %lt3A_363 : i1
      %and3A_365 = arith.andi %ne3A_364, %ne3A_359 : i1
      %add3A_366 = arith.addi %rem3A_357, %select_n3A_356 : i32
      %select_n3A_367 = arith.select %and3A_365, %add3A_366, %rem3A_357 : i32
      %mul3A_368 = arith.constant 128 : i32
      %mul3A_369 = arith.muli %select_n3A_367, %mul3A_368 : i32
      %dma_start3A_370 = arith.constant 0 : i32
      %dma_start3A_371 = arith.constant 0 : i32
      %dma_start3A_372 = arith.constant 0 : i32
      %dma_start3A_373 = tpu.memref_slice %arg11[%dma_start3A_370, %dma_start3A_371, %dma_start3A_372] : memref<2x128x64xf32, #tpu.memory_space<vmem>> -> memref<1x128x64xf32, #tpu.memory_space<vmem>>
      %dma_start3A_374 = tpu.memref_squeeze %dma_start3A_373 : memref<1x128x64xf32, #tpu.memory_space<vmem>> -> memref<128x64xf32, #tpu.memory_space<vmem>>
      %dma_start3A_375 = arith.constant 0 : i32
      %dma_start3A_376 = tpu.memref_slice %arg9[%select_n3A, %mul3A_369, %dma_start3A_375] : memref<200x4096x192xf32, #tpu.memory_space<hbm>> -> memref<1x128x192xf32, #tpu.memory_space<hbm>>
      %dma_start3A_377 = tpu.memref_squeeze %dma_start3A_376 : memref<1x128x192xf32, #tpu.memory_space<hbm>> -> memref<128x192xf32, #tpu.memory_space<hbm>>
      %dma_start3A_378 = arith.constant 0 : i32
      %dma_start3A_379 = arith.constant 0 : i32
      %dma_start3A_380 = tpu.memref_slice %dma_start3A_377[%dma_start3A_378, %dma_start3A_379] : memref<128x192xf32, #tpu.memory_space<hbm>> -> memref<128x64xf32, #tpu.memory_space<hbm>>
      %dma_start3A_381 = arith.constant 0 : i32
      %dma_start3A_382 = tpu.memref_slice %arg9[%select_n3A, %mul3A_369, %dma_start3A_381] : memref<200x4096x192xf32, #tpu.memory_space<hbm>> -> memref<1x128x192xf32, #tpu.memory_space<hbm>>
      %dma_start3A_383 = tpu.memref_squeeze %dma_start3A_382 : memref<1x128x192xf32, #tpu.memory_space<hbm>> -> memref<128x192xf32, #tpu.memory_space<hbm>>
      %dma_start3A_384 = arith.constant 0 : i32
      %dma_start3A_385 = arith.constant 0 : i32
      %dma_start3A_386 = tpu.memref_slice %dma_start3A_383[%dma_start3A_384, %dma_start3A_385] : memref<128x192xf32, #tpu.memory_space<hbm>> -> memref<128x64xf32, #tpu.memory_space<hbm>>
      %dma_start3A_387 = arith.constant 0 : i32
      %dma_start3A_388 = arith.constant 0 : i32
      %dma_start3A_389 = tpu.memref_slice %arg11[%dma_start3A_370, %dma_start3A_387, %dma_start3A_388] : memref<2x128x64xf32, #tpu.memory_space<vmem>> -> memref<1x128x64xf32, #tpu.memory_space<vmem>>
      %dma_start3A_390 = tpu.memref_squeeze %dma_start3A_389 : memref<1x128x64xf32, #tpu.memory_space<vmem>> -> memref<128x64xf32, #tpu.memory_space<vmem>>
      tpu.enqueue_dma source(%dma_start3A_390 : memref<128x64xf32, #tpu.memory_space<vmem>>) target(%dma_start3A_386 : memref<128x64xf32, #tpu.memory_space<hbm>>) target_semaphore(%arg17 : memref<!tpu.dma_semaphore, #tpu.memory_space<semaphore_mem>>)
      %dma_start3A_391 = arith.constant 0 : i32
      %dma_start3A_392 = arith.constant 0 : i32
      %dma_start3A_393 = arith.constant 0 : i32
      %dma_start3A_394 = tpu.memref_slice %arg13[%dma_start3A_391, %dma_start3A_392, %dma_start3A_393] : memref<2x128x64xf32, #tpu.memory_space<vmem>> -> memref<1x128x64xf32, #tpu.memory_space<vmem>>
      %dma_start3A_395 = tpu.memref_squeeze %dma_start3A_394 : memref<1x128x64xf32, #tpu.memory_space<vmem>> -> memref<128x64xf32, #tpu.memory_space<vmem>>
      %dma_start3A_396 = arith.constant 0 : i32
      %dma_start3A_397 = tpu.memref_slice %arg9[%select_n3A, %mul3A_369, %dma_start3A_396] : memref<200x4096x192xf32, #tpu.memory_space<hbm>> -> memref<1x128x192xf32, #tpu.memory_space<hbm>>
      %dma_start3A_398 = tpu.memref_squeeze %dma_start3A_397 : memref<1x128x192xf32, #tpu.memory_space<hbm>> -> memref<128x192xf32, #tpu.memory_space<hbm>>
      %dma_start3A_399 = arith.constant 0 : i32
      %dma_start3A_400 = arith.constant 64 : i32
      %dma_start3A_401 = tpu.memref_slice %dma_start3A_398[%dma_start3A_399, %dma_start3A_400] : memref<128x192xf32, #tpu.memory_space<hbm>> -> memref<128x64xf32, #tpu.memory_space<hbm>>
      %dma_start3A_402 = arith.constant 0 : i32
      %dma_start3A_403 = tpu.memref_slice %arg9[%select_n3A, %mul3A_369, %dma_start3A_402] : memref<200x4096x192xf32, #tpu.memory_space<hbm>> -> memref<1x128x192xf32, #tpu.memory_space<hbm>>
      %dma_start3A_404 = tpu.memref_squeeze %dma_start3A_403 : memref<1x128x192xf32, #tpu.memory_space<hbm>> -> memref<128x192xf32, #tpu.memory_space<hbm>>
      %dma_start3A_405 = arith.constant 0 : i32
      %dma_start3A_406 = arith.constant 64 : i32
      %dma_start3A_407 = tpu.memref_slice %dma_start3A_404[%dma_start3A_405, %dma_start3A_406] : memref<128x192xf32, #tpu.memory_space<hbm>> -> memref<128x64xf32, #tpu.memory_space<hbm>>
      %dma_start3A_408 = arith.constant 0 : i32
      %dma_start3A_409 = arith.constant 0 : i32
      %dma_start3A_410 = tpu.memref_slice %arg13[%dma_start3A_391, %dma_start3A_408, %dma_start3A_409] : memref<2x128x64xf32, #tpu.memory_space<vmem>> -> memref<1x128x64xf32, #tpu.memory_space<vmem>>
      %dma_start3A_411 = tpu.memref_squeeze %dma_start3A_410 : memref<1x128x64xf32, #tpu.memory_space<vmem>> -> memref<128x64xf32, #tpu.memory_space<vmem>>
      tpu.enqueue_dma source(%dma_start3A_411 : memref<128x64xf32, #tpu.memory_space<vmem>>) target(%dma_start3A_407 : memref<128x64xf32, #tpu.memory_space<hbm>>) target_semaphore(%arg17 : memref<!tpu.dma_semaphore, #tpu.memory_space<semaphore_mem>>)
      %dma_start3A_412 = arith.constant 0 : i32
      %dma_start3A_413 = arith.constant 0 : i32
      %dma_start3A_414 = arith.constant 0 : i32
      %dma_start3A_415 = tpu.memref_slice %arg14[%dma_start3A_412, %dma_start3A_413, %dma_start3A_414] : memref<2x128x64xf32, #tpu.memory_space<vmem>> -> memref<1x128x64xf32, #tpu.memory_space<vmem>>
      %dma_start3A_416 = tpu.memref_squeeze %dma_start3A_415 : memref<1x128x64xf32, #tpu.memory_space<vmem>> -> memref<128x64xf32, #tpu.memory_space<vmem>>
      %dma_start3A_417 = arith.constant 0 : i32
      %dma_start3A_418 = tpu.memref_slice %arg9[%select_n3A, %mul3A_369, %dma_start3A_417] : memref<200x4096x192xf32, #tpu.memory_space<hbm>> -> memref<1x128x192xf32, #tpu.memory_space<hbm>>
      %dma_start3A_419 = tpu.memref_squeeze %dma_start3A_418 : memref<1x128x192xf32, #tpu.memory_space<hbm>> -> memref<128x192xf32, #tpu.memory_space<hbm>>
      %dma_start3A_420 = arith.constant 0 : i32
      %dma_start3A_421 = arith.constant 128 : i32
      %dma_start3A_422 = tpu.memref_slice %dma_start3A_419[%dma_start3A_420, %dma_start3A_421] : memref<128x192xf32, #tpu.memory_space<hbm>> -> memref<128x64xf32, #tpu.memory_space<hbm>>
      %dma_start3A_423 = arith.constant 0 : i32
      %dma_start3A_424 = tpu.memref_slice %arg9[%select_n3A, %mul3A_369, %dma_start3A_423] : memref<200x4096x192xf32, #tpu.memory_space<hbm>> -> memref<1x128x192xf32, #tpu.memory_space<hbm>>
      %dma_start3A_425 = tpu.memref_squeeze %dma_start3A_424 : memref<1x128x192xf32, #tpu.memory_space<hbm>> -> memref<128x192xf32, #tpu.memory_space<hbm>>
      %dma_start3A_426 = arith.constant 0 : i32
      %dma_start3A_427 = arith.constant 128 : i32
      %dma_start3A_428 = tpu.memref_slice %dma_start3A_425[%dma_start3A_426, %dma_start3A_427] : memref<128x192xf32, #tpu.memory_space<hbm>> -> memref<128x64xf32, #tpu.memory_space<hbm>>
      %dma_start3A_429 = arith.constant 0 : i32
      %dma_start3A_430 = arith.constant 0 : i32
      %dma_start3A_431 = tpu.memref_slice %arg14[%dma_start3A_412, %dma_start3A_429, %dma_start3A_430] : memref<2x128x64xf32, #tpu.memory_space<vmem>> -> memref<1x128x64xf32, #tpu.memory_space<vmem>>
      %dma_start3A_432 = tpu.memref_squeeze %dma_start3A_431 : memref<1x128x64xf32, #tpu.memory_space<vmem>> -> memref<128x64xf32, #tpu.memory_space<vmem>>
      tpu.enqueue_dma source(%dma_start3A_432 : memref<128x64xf32, #tpu.memory_space<vmem>>) target(%dma_start3A_428 : memref<128x64xf32, #tpu.memory_space<hbm>>) target_semaphore(%arg17 : memref<!tpu.dma_semaphore, #tpu.memory_space<semaphore_mem>>)
      %mul3A_433 = arith.constant 2 : i32
      %mul3A_434 = arith.muli %scan3A_258, %mul3A_433 : i32
      %add3A_435 = arith.constant 1 : i32
      %add3A_436 = arith.addi %mul3A_434, %add3A_435 : i32
      %ge3A_437 = arith.constant 1 : i32
      %ge3A_438 = arith.cmpi sge, %add3A_436, %ge3A_437 : i32
      %convert_element_type3A_439 = arith.extui %ge3A_438 : i1 to i32
      %cond3A_440 = arith.constant 0 : i32
      %cond3A_441 = arith.cmpi ne, %convert_element_type3A_439, %cond3A_440 : i32
      scf.if %cond3A_441 {
        %dma_wait3A_620 = arith.constant 0 : i32
        %dma_wait3A_621 = arith.constant 0 : i32
        %dma_wait3A_622 = arith.constant 0 : i32
        %dma_wait3A_623 = arith.constant 0 : i32
        %dma_wait3A_624 = tpu.memref_slice %arg11[%dma_wait3A_620, %dma_wait3A_622, %dma_wait3A_623] : memref<2x128x64xf32, #tpu.memory_space<vmem>> -> memref<1x128x64xf32, #tpu.memory_space<vmem>>
        %dma_wait3A_625 = tpu.memref_squeeze %dma_wait3A_624 : memref<1x128x64xf32, #tpu.memory_space<vmem>> -> memref<128x64xf32, #tpu.memory_space<vmem>>
        %dma_wait3A_626 = arith.constant 0 : i32
        %dma_wait3A_627 = arith.constant 0 : i32
        %dma_wait3A_628 = tpu.memref_slice %arg9[%dma_wait3A_621, %dma_wait3A_626, %dma_wait3A_627] : memref<200x4096x192xf32, #tpu.memory_space<hbm>> -> memref<1x128x192xf32, #tpu.memory_space<hbm>>
        %dma_wait3A_629 = tpu.memref_squeeze %dma_wait3A_628 : memref<1x128x192xf32, #tpu.memory_space<hbm>> -> memref<128x192xf32, #tpu.memory_space<hbm>>
        %dma_wait3A_630 = arith.constant 0 : i32
        %dma_wait3A_631 = arith.constant 0 : i32
        %dma_wait3A_632 = tpu.memref_slice %dma_wait3A_629[%dma_wait3A_630, %dma_wait3A_631] : memref<128x192xf32, #tpu.memory_space<hbm>> -> memref<128x64xf32, #tpu.memory_space<hbm>>
        %dma_wait3A_633 = arith.constant 0 : i32
        %dma_wait3A_634 = arith.constant 0 : i32
        %dma_wait3A_635 = tpu.memref_slice %arg9[%dma_wait3A_621, %dma_wait3A_633, %dma_wait3A_634] : memref<200x4096x192xf32, #tpu.memory_space<hbm>> -> memref<1x128x192xf32, #tpu.memory_space<hbm>>
        %dma_wait3A_636 = tpu.memref_squeeze %dma_wait3A_635 : memref<1x128x192xf32, #tpu.memory_space<hbm>> -> memref<128x192xf32, #tpu.memory_space<hbm>>
        %dma_wait3A_637 = arith.constant 0 : i32
        %dma_wait3A_638 = arith.constant 0 : i32
        %dma_wait3A_639 = tpu.memref_slice %dma_wait3A_636[%dma_wait3A_637, %dma_wait3A_638] : memref<128x192xf32, #tpu.memory_space<hbm>> -> memref<128x64xf32, #tpu.memory_space<hbm>>
        %dma_wait3A_640 = arith.constant 0 : i32
        %dma_wait3A_641 = arith.constant 0 : i32
        %dma_wait3A_642 = tpu.memref_slice %arg11[%dma_wait3A_620, %dma_wait3A_640, %dma_wait3A_641] : memref<2x128x64xf32, #tpu.memory_space<vmem>> -> memref<1x128x64xf32, #tpu.memory_space<vmem>>
        %dma_wait3A_643 = tpu.memref_squeeze %dma_wait3A_642 : memref<1x128x64xf32, #tpu.memory_space<vmem>> -> memref<128x64xf32, #tpu.memory_space<vmem>>
        tpu.wait_dma2 semaphore(%arg17 : memref<!tpu.dma_semaphore, #tpu.memory_space<semaphore_mem>>) src(%dma_wait3A_643 : memref<128x64xf32, #tpu.memory_space<vmem>>) dst(%dma_wait3A_639 : memref<128x64xf32, #tpu.memory_space<hbm>>)
        %dma_wait3A_644 = arith.constant 0 : i32
        %dma_wait3A_645 = arith.constant 0 : i32
        %dma_wait3A_646 = arith.constant 0 : i32
        %dma_wait3A_647 = arith.constant 0 : i32
        %dma_wait3A_648 = tpu.memref_slice %arg13[%dma_wait3A_644, %dma_wait3A_646, %dma_wait3A_647] : memref<2x128x64xf32, #tpu.memory_space<vmem>> -> memref<1x128x64xf32, #tpu.memory_space<vmem>>
        %dma_wait3A_649 = tpu.memref_squeeze %dma_wait3A_648 : memref<1x128x64xf32, #tpu.memory_space<vmem>> -> memref<128x64xf32, #tpu.memory_space<vmem>>
        %dma_wait3A_650 = arith.constant 0 : i32
        %dma_wait3A_651 = arith.constant 0 : i32
        %dma_wait3A_652 = tpu.memref_slice %arg9[%dma_wait3A_645, %dma_wait3A_650, %dma_wait3A_651] : memref<200x4096x192xf32, #tpu.memory_space<hbm>> -> memref<1x128x192xf32, #tpu.memory_space<hbm>>
        %dma_wait3A_653 = tpu.memref_squeeze %dma_wait3A_652 : memref<1x128x192xf32, #tpu.memory_space<hbm>> -> memref<128x192xf32, #tpu.memory_space<hbm>>
        %dma_wait3A_654 = arith.constant 0 : i32
        %dma_wait3A_655 = arith.constant 64 : i32
        %dma_wait3A_656 = tpu.memref_slice %dma_wait3A_653[%dma_wait3A_654, %dma_wait3A_655] : memref<128x192xf32, #tpu.memory_space<hbm>> -> memref<128x64xf32, #tpu.memory_space<hbm>>
        %dma_wait3A_657 = arith.constant 0 : i32
        %dma_wait3A_658 = arith.constant 0 : i32
        %dma_wait3A_659 = tpu.memref_slice %arg9[%dma_wait3A_645, %dma_wait3A_657, %dma_wait3A_658] : memref<200x4096x192xf32, #tpu.memory_space<hbm>> -> memref<1x128x192xf32, #tpu.memory_space<hbm>>
        %dma_wait3A_660 = tpu.memref_squeeze %dma_wait3A_659 : memref<1x128x192xf32, #tpu.memory_space<hbm>> -> memref<128x192xf32, #tpu.memory_space<hbm>>
        %dma_wait3A_661 = arith.constant 0 : i32
        %dma_wait3A_662 = arith.constant 64 : i32
        %dma_wait3A_663 = tpu.memref_slice %dma_wait3A_660[%dma_wait3A_661, %dma_wait3A_662] : memref<128x192xf32, #tpu.memory_space<hbm>> -> memref<128x64xf32, #tpu.memory_space<hbm>>
        %dma_wait3A_664 = arith.constant 0 : i32
        %dma_wait3A_665 = arith.constant 0 : i32
        %dma_wait3A_666 = tpu.memref_slice %arg13[%dma_wait3A_644, %dma_wait3A_664, %dma_wait3A_665] : memref<2x128x64xf32, #tpu.memory_space<vmem>> -> memref<1x128x64xf32, #tpu.memory_space<vmem>>
        %dma_wait3A_667 = tpu.memref_squeeze %dma_wait3A_666 : memref<1x128x64xf32, #tpu.memory_space<vmem>> -> memref<128x64xf32, #tpu.memory_space<vmem>>
        tpu.wait_dma2 semaphore(%arg17 : memref<!tpu.dma_semaphore, #tpu.memory_space<semaphore_mem>>) src(%dma_wait3A_667 : memref<128x64xf32, #tpu.memory_space<vmem>>) dst(%dma_wait3A_663 : memref<128x64xf32, #tpu.memory_space<hbm>>)
        %dma_wait3A_668 = arith.constant 0 : i32
        %dma_wait3A_669 = arith.constant 0 : i32
        %dma_wait3A_670 = arith.constant 0 : i32
        %dma_wait3A_671 = arith.constant 0 : i32
        %dma_wait3A_672 = tpu.memref_slice %arg14[%dma_wait3A_668, %dma_wait3A_670, %dma_wait3A_671] : memref<2x128x64xf32, #tpu.memory_space<vmem>> -> memref<1x128x64xf32, #tpu.memory_space<vmem>>
        %dma_wait3A_673 = tpu.memref_squeeze %dma_wait3A_672 : memref<1x128x64xf32, #tpu.memory_space<vmem>> -> memref<128x64xf32, #tpu.memory_space<vmem>>
        %dma_wait3A_674 = arith.constant 0 : i32
        %dma_wait3A_675 = arith.constant 0 : i32
        %dma_wait3A_676 = tpu.memref_slice %arg9[%dma_wait3A_669, %dma_wait3A_674, %dma_wait3A_675] : memref<200x4096x192xf32, #tpu.memory_space<hbm>> -> memref<1x128x192xf32, #tpu.memory_space<hbm>>
        %dma_wait3A_677 = tpu.memref_squeeze %dma_wait3A_676 : memref<1x128x192xf32, #tpu.memory_space<hbm>> -> memref<128x192xf32, #tpu.memory_space<hbm>>
        %dma_wait3A_678 = arith.constant 0 : i32
        %dma_wait3A_679 = arith.constant 128 : i32
        %dma_wait3A_680 = tpu.memref_slice %dma_wait3A_677[%dma_wait3A_678, %dma_wait3A_679] : memref<128x192xf32, #tpu.memory_space<hbm>> -> memref<128x64xf32, #tpu.memory_space<hbm>>
        %dma_wait3A_681 = arith.constant 0 : i32
        %dma_wait3A_682 = arith.constant 0 : i32
        %dma_wait3A_683 = tpu.memref_slice %arg9[%dma_wait3A_669, %dma_wait3A_681, %dma_wait3A_682] : memref<200x4096x192xf32, #tpu.memory_space<hbm>> -> memref<1x128x192xf32, #tpu.memory_space<hbm>>
        %dma_wait3A_684 = tpu.memref_squeeze %dma_wait3A_683 : memref<1x128x192xf32, #tpu.memory_space<hbm>> -> memref<128x192xf32, #tpu.memory_space<hbm>>
        %dma_wait3A_685 = arith.constant 0 : i32
        %dma_wait3A_686 = arith.constant 128 : i32
        %dma_wait3A_687 = tpu.memref_slice %dma_wait3A_684[%dma_wait3A_685, %dma_wait3A_686] : memref<128x192xf32, #tpu.memory_space<hbm>> -> memref<128x64xf32, #tpu.memory_space<hbm>>
        %dma_wait3A_688 = arith.constant 0 : i32
        %dma_wait3A_689 = arith.constant 0 : i32
        %dma_wait3A_690 = tpu.memref_slice %arg14[%dma_wait3A_668, %dma_wait3A_688, %dma_wait3A_689] : memref<2x128x64xf32, #tpu.memory_space<vmem>> -> memref<1x128x64xf32, #tpu.memory_space<vmem>>
        %dma_wait3A_691 = tpu.memref_squeeze %dma_wait3A_690 : memref<1x128x64xf32, #tpu.memory_space<vmem>> -> memref<128x64xf32, #tpu.memory_space<vmem>>
        tpu.wait_dma2 semaphore(%arg17 : memref<!tpu.dma_semaphore, #tpu.memory_space<semaphore_mem>>) src(%dma_wait3A_691 : memref<128x64xf32, #tpu.memory_space<vmem>>) dst(%dma_wait3A_687 : memref<128x64xf32, #tpu.memory_space<hbm>>)
      } else {
      }
      %add3A_442 = arith.constant 1 : i32
      %add3A_443 = arith.addi %add3A_436, %add3A_442 : i32
      %lt3A_444 = arith.constant 200 : i32
      %lt3A_445 = arith.cmpi slt, %add3A_443, %lt3A_444 : i32
      %convert_element_type3A_446 = arith.extui %lt3A_445 : i1 to i32
      %cond3A_447 = arith.constant 0 : i32
      %cond3A_448 = arith.cmpi ne, %convert_element_type3A_446, %cond3A_447 : i32
      scf.if %cond3A_448 {
        %dma_wait3A_620 = arith.constant 0 : i32
        %dma_wait3A_621 = arith.constant 0 : i32
        %dma_wait3A_622 = arith.constant 0 : i32
        %dma_wait3A_623 = tpu.memref_slice %arg10[%dma_wait3A_620, %dma_wait3A_621, %dma_wait3A_622] : memref<2x4x128xi32, #tpu.memory_space<vmem>> -> memref<1x1x128xi32, #tpu.memory_space<vmem>>
        %dma_wait3A_624 = tpu.memref_squeeze %dma_wait3A_623 : memref<1x1x128xi32, #tpu.memory_space<vmem>> -> memref<128xi32, #tpu.memory_space<vmem>>
        %dma_wait3A_625 = arith.constant 0 : i32
        %dma_wait3A_626 = tpu.memref_slice %arg2[%dma_wait3A_625] : memref<819200xi32, #tpu.memory_space<hbm>> -> memref<128xi32, #tpu.memory_space<hbm>>
        %dma_wait3A_627 = arith.constant 0 : i32
        %dma_wait3A_628 = tpu.memref_slice %arg10[%dma_wait3A_620, %dma_wait3A_621, %dma_wait3A_627] : memref<2x4x128xi32, #tpu.memory_space<vmem>> -> memref<1x1x128xi32, #tpu.memory_space<vmem>>
        %dma_wait3A_629 = tpu.memref_squeeze %dma_wait3A_628 : memref<1x1x128xi32, #tpu.memory_space<vmem>> -> memref<128xi32, #tpu.memory_space<vmem>>
        %dma_wait3A_630 = arith.constant 0 : i32
        %dma_wait3A_631 = tpu.memref_slice %arg2[%dma_wait3A_630] : memref<819200xi32, #tpu.memory_space<hbm>> -> memref<128xi32, #tpu.memory_space<hbm>>
        tpu.wait_dma2 semaphore(%arg19 : memref<!tpu.dma_semaphore, #tpu.memory_space<semaphore_mem>>) src(%dma_wait3A_631 : memref<128xi32, #tpu.memory_space<hbm>>) dst(%dma_wait3A_629 : memref<128xi32, #tpu.memory_space<vmem>>)
        %dma_wait3A_632 = arith.constant 0 : i32
        %dma_wait3A_633 = arith.constant 1 : i32
        %dma_wait3A_634 = arith.constant 0 : i32
        %dma_wait3A_635 = tpu.memref_slice %arg10[%dma_wait3A_632, %dma_wait3A_633, %dma_wait3A_634] : memref<2x4x128xi32, #tpu.memory_space<vmem>> -> memref<1x1x128xi32, #tpu.memory_space<vmem>>
        %dma_wait3A_636 = tpu.memref_squeeze %dma_wait3A_635 : memref<1x1x128xi32, #tpu.memory_space<vmem>> -> memref<128xi32, #tpu.memory_space<vmem>>
        %dma_wait3A_637 = arith.constant 0 : i32
        %dma_wait3A_638 = tpu.memref_slice %arg3[%dma_wait3A_637] : memref<819200xi32, #tpu.memory_space<hbm>> -> memref<128xi32, #tpu.memory_space<hbm>>
        %dma_wait3A_639 = arith.constant 0 : i32
        %dma_wait3A_640 = tpu.memref_slice %arg10[%dma_wait3A_632, %dma_wait3A_633, %dma_wait3A_639] : memref<2x4x128xi32, #tpu.memory_space<vmem>> -> memref<1x1x128xi32, #tpu.memory_space<vmem>>
        %dma_wait3A_641 = tpu.memref_squeeze %dma_wait3A_640 : memref<1x1x128xi32, #tpu.memory_space<vmem>> -> memref<128xi32, #tpu.memory_space<vmem>>
        %dma_wait3A_642 = arith.constant 0 : i32
        %dma_wait3A_643 = tpu.memref_slice %arg3[%dma_wait3A_642] : memref<819200xi32, #tpu.memory_space<hbm>> -> memref<128xi32, #tpu.memory_space<hbm>>
        tpu.wait_dma2 semaphore(%arg19 : memref<!tpu.dma_semaphore, #tpu.memory_space<semaphore_mem>>) src(%dma_wait3A_643 : memref<128xi32, #tpu.memory_space<hbm>>) dst(%dma_wait3A_641 : memref<128xi32, #tpu.memory_space<vmem>>)
        %dma_wait3A_644 = arith.constant 0 : i32
        %dma_wait3A_645 = arith.constant 2 : i32
        %dma_wait3A_646 = arith.constant 0 : i32
        %dma_wait3A_647 = tpu.memref_slice %arg10[%dma_wait3A_644, %dma_wait3A_645, %dma_wait3A_646] : memref<2x4x128xi32, #tpu.memory_space<vmem>> -> memref<1x1x128xi32, #tpu.memory_space<vmem>>
        %dma_wait3A_648 = tpu.memref_squeeze %dma_wait3A_647 : memref<1x1x128xi32, #tpu.memory_space<vmem>> -> memref<128xi32, #tpu.memory_space<vmem>>
        %dma_wait3A_649 = arith.constant 0 : i32
        %dma_wait3A_650 = tpu.memref_slice %arg4[%dma_wait3A_649] : memref<819200xi32, #tpu.memory_space<hbm>> -> memref<128xi32, #tpu.memory_space<hbm>>
        %dma_wait3A_651 = arith.constant 0 : i32
        %dma_wait3A_652 = tpu.memref_slice %arg10[%dma_wait3A_644, %dma_wait3A_645, %dma_wait3A_651] : memref<2x4x128xi32, #tpu.memory_space<vmem>> -> memref<1x1x128xi32, #tpu.memory_space<vmem>>
        %dma_wait3A_653 = tpu.memref_squeeze %dma_wait3A_652 : memref<1x1x128xi32, #tpu.memory_space<vmem>> -> memref<128xi32, #tpu.memory_space<vmem>>
        %dma_wait3A_654 = arith.constant 0 : i32
        %dma_wait3A_655 = tpu.memref_slice %arg4[%dma_wait3A_654] : memref<819200xi32, #tpu.memory_space<hbm>> -> memref<128xi32, #tpu.memory_space<hbm>>
        tpu.wait_dma2 semaphore(%arg19 : memref<!tpu.dma_semaphore, #tpu.memory_space<semaphore_mem>>) src(%dma_wait3A_655 : memref<128xi32, #tpu.memory_space<hbm>>) dst(%dma_wait3A_653 : memref<128xi32, #tpu.memory_space<vmem>>)
        %dma_wait3A_656 = arith.constant 0 : i32
        %dma_wait3A_657 = arith.constant 3 : i32
        %dma_wait3A_658 = arith.constant 0 : i32
        %dma_wait3A_659 = tpu.memref_slice %arg10[%dma_wait3A_656, %dma_wait3A_657, %dma_wait3A_658] : memref<2x4x128xi32, #tpu.memory_space<vmem>> -> memref<1x1x128xi32, #tpu.memory_space<vmem>>
        %dma_wait3A_660 = tpu.memref_squeeze %dma_wait3A_659 : memref<1x1x128xi32, #tpu.memory_space<vmem>> -> memref<128xi32, #tpu.memory_space<vmem>>
        %dma_wait3A_661 = arith.constant 0 : i32
        %dma_wait3A_662 = tpu.memref_slice %arg5[%dma_wait3A_661] : memref<819200xi32, #tpu.memory_space<hbm>> -> memref<128xi32, #tpu.memory_space<hbm>>
        %dma_wait3A_663 = arith.constant 0 : i32
        %dma_wait3A_664 = tpu.memref_slice %arg10[%dma_wait3A_656, %dma_wait3A_657, %dma_wait3A_663] : memref<2x4x128xi32, #tpu.memory_space<vmem>> -> memref<1x1x128xi32, #tpu.memory_space<vmem>>
        %dma_wait3A_665 = tpu.memref_squeeze %dma_wait3A_664 : memref<1x1x128xi32, #tpu.memory_space<vmem>> -> memref<128xi32, #tpu.memory_space<vmem>>
        %dma_wait3A_666 = arith.constant 0 : i32
        %dma_wait3A_667 = tpu.memref_slice %arg5[%dma_wait3A_666] : memref<819200xi32, #tpu.memory_space<hbm>> -> memref<128xi32, #tpu.memory_space<hbm>>
        tpu.wait_dma2 semaphore(%arg19 : memref<!tpu.dma_semaphore, #tpu.memory_space<semaphore_mem>>) src(%dma_wait3A_667 : memref<128xi32, #tpu.memory_space<hbm>>) dst(%dma_wait3A_665 : memref<128xi32, #tpu.memory_space<vmem>>)
        %dma_start3A_668 = arith.constant 0 : i32
        %dma_start3A_669 = arith.constant 0 : i32
        %dma_start3A_670 = arith.constant 0 : i32
        %dma_start3A_671 = arith.constant 0 : i32
        %dma_start3A_672 = arith.constant 0 : i32
        %dma_start3A_673 = tpu.memref_slice %arg11[%dma_start3A_670, %dma_start3A_671, %dma_start3A_672] : memref<2x128x64xf32, #tpu.memory_space<vmem>> -> memref<1x128x64xf32, #tpu.memory_space<vmem>>
        %dma_start3A_674 = tpu.memref_squeeze %dma_start3A_673 : memref<1x128x64xf32, #tpu.memory_space<vmem>> -> memref<128x64xf32, #tpu.memory_space<vmem>>
        %dma_start3A_675 = arith.constant 0 : i32
        %dma_start3A_676 = tpu.memref_slice %arg10[%dma_start3A_668, %dma_start3A_669, %dma_start3A_675] : memref<2x4x128xi32, #tpu.memory_space<vmem>> -> memref<1x1x128xi32, #tpu.memory_space<vmem>>
        %dma_start3A_677 = tpu.memref_squeeze %dma_start3A_676 : memref<1x1x128xi32, #tpu.memory_space<vmem>> -> memref<128xi32, #tpu.memory_space<vmem>>
        %dma_start3A_678 = arith.constant 0 : i32
        %dma_start3A_679 = arith.constant 0 : i32
        %dma_start3A_680 = tpu.memref_slice %arg6[%dma_start3A_678, %dma_start3A_679] : memref<100000x64xf32, #tpu.memory_space<hbm>> -> memref<100000x64xf32, #tpu.memory_space<hbm>>
        tpu.enqueue_indirect_dma source(%dma_start3A_680 : memref<100000x64xf32, #tpu.memory_space<hbm>>) target(%dma_start3A_674 : memref<128x64xf32, #tpu.memory_space<vmem>>) offsets(%dma_start3A_677 : memref<128xi32, #tpu.memory_space<vmem>>) semaphore(%arg15 : memref<!tpu.dma_semaphore, #tpu.memory_space<semaphore_mem>>)
        %dma_start3A_681 = arith.constant 0 : i32
        %dma_start3A_682 = arith.constant 1 : i32
        %dma_start3A_683 = arith.constant 0 : i32
        %dma_start3A_684 = arith.constant 0 : i32
        %dma_start3A_685 = arith.constant 0 : i32
        %dma_start3A_686 = tpu.memref_slice %arg12[%dma_start3A_683, %dma_start3A_684, %dma_start3A_685] : memref<2x128x64xf32, #tpu.memory_space<vmem>> -> memref<1x128x64xf32, #tpu.memory_space<vmem>>
        %dma_start3A_687 = tpu.memref_squeeze %dma_start3A_686 : memref<1x128x64xf32, #tpu.memory_space<vmem>> -> memref<128x64xf32, #tpu.memory_space<vmem>>
        %dma_start3A_688 = arith.constant 0 : i32
        %dma_start3A_689 = tpu.memref_slice %arg10[%dma_start3A_681, %dma_start3A_682, %dma_start3A_688] : memref<2x4x128xi32, #tpu.memory_space<vmem>> -> memref<1x1x128xi32, #tpu.memory_space<vmem>>
        %dma_start3A_690 = tpu.memref_squeeze %dma_start3A_689 : memref<1x1x128xi32, #tpu.memory_space<vmem>> -> memref<128xi32, #tpu.memory_space<vmem>>
        %dma_start3A_691 = arith.constant 0 : i32
        %dma_start3A_692 = arith.constant 0 : i32
        %dma_start3A_693 = tpu.memref_slice %arg7[%dma_start3A_691, %dma_start3A_692] : memref<100001x64xf32, #tpu.memory_space<hbm>> -> memref<100001x64xf32, #tpu.memory_space<hbm>>
        tpu.enqueue_indirect_dma source(%dma_start3A_693 : memref<100001x64xf32, #tpu.memory_space<hbm>>) target(%dma_start3A_687 : memref<128x64xf32, #tpu.memory_space<vmem>>) offsets(%dma_start3A_690 : memref<128xi32, #tpu.memory_space<vmem>>) semaphore(%arg15 : memref<!tpu.dma_semaphore, #tpu.memory_space<semaphore_mem>>)
        %dma_start3A_694 = arith.constant 0 : i32
        %dma_start3A_695 = arith.constant 2 : i32
        %dma_start3A_696 = arith.constant 0 : i32
        %dma_start3A_697 = arith.constant 0 : i32
        %dma_start3A_698 = arith.constant 0 : i32
        %dma_start3A_699 = tpu.memref_slice %arg13[%dma_start3A_696, %dma_start3A_697, %dma_start3A_698] : memref<2x128x64xf32, #tpu.memory_space<vmem>> -> memref<1x128x64xf32, #tpu.memory_space<vmem>>
        %dma_start3A_700 = tpu.memref_squeeze %dma_start3A_699 : memref<1x128x64xf32, #tpu.memory_space<vmem>> -> memref<128x64xf32, #tpu.memory_space<vmem>>
        %dma_start3A_701 = arith.constant 0 : i32
        %dma_start3A_702 = tpu.memref_slice %arg10[%dma_start3A_694, %dma_start3A_695, %dma_start3A_701] : memref<2x4x128xi32, #tpu.memory_space<vmem>> -> memref<1x1x128xi32, #tpu.memory_space<vmem>>
        %dma_start3A_703 = tpu.memref_squeeze %dma_start3A_702 : memref<1x1x128xi32, #tpu.memory_space<vmem>> -> memref<128xi32, #tpu.memory_space<vmem>>
        %dma_start3A_704 = arith.constant 0 : i32
        %dma_start3A_705 = arith.constant 0 : i32
        %dma_start3A_706 = tpu.memref_slice %arg8[%dma_start3A_704, %dma_start3A_705] : memref<1000x64xf32, #tpu.memory_space<hbm>> -> memref<1000x64xf32, #tpu.memory_space<hbm>>
        tpu.enqueue_indirect_dma source(%dma_start3A_706 : memref<1000x64xf32, #tpu.memory_space<hbm>>) target(%dma_start3A_700 : memref<128x64xf32, #tpu.memory_space<vmem>>) offsets(%dma_start3A_703 : memref<128xi32, #tpu.memory_space<vmem>>) semaphore(%arg15 : memref<!tpu.dma_semaphore, #tpu.memory_space<semaphore_mem>>)
        %dma_start3A_707 = arith.constant 0 : i32
        %dma_start3A_708 = arith.constant 3 : i32
        %dma_start3A_709 = arith.constant 0 : i32
        %dma_start3A_710 = arith.constant 0 : i32
        %dma_start3A_711 = arith.constant 0 : i32
        %dma_start3A_712 = tpu.memref_slice %arg14[%dma_start3A_709, %dma_start3A_710, %dma_start3A_711] : memref<2x128x64xf32, #tpu.memory_space<vmem>> -> memref<1x128x64xf32, #tpu.memory_space<vmem>>
        %dma_start3A_713 = tpu.memref_squeeze %dma_start3A_712 : memref<1x128x64xf32, #tpu.memory_space<vmem>> -> memref<128x64xf32, #tpu.memory_space<vmem>>
        %dma_start3A_714 = arith.constant 0 : i32
        %dma_start3A_715 = tpu.memref_slice %arg10[%dma_start3A_707, %dma_start3A_708, %dma_start3A_714] : memref<2x4x128xi32, #tpu.memory_space<vmem>> -> memref<1x1x128xi32, #tpu.memory_space<vmem>>
        %dma_start3A_716 = tpu.memref_squeeze %dma_start3A_715 : memref<1x1x128xi32, #tpu.memory_space<vmem>> -> memref<128xi32, #tpu.memory_space<vmem>>
        %dma_start3A_717 = arith.constant 0 : i32
        %dma_start3A_718 = arith.constant 0 : i32
        %dma_start3A_719 = tpu.memref_slice %arg6[%dma_start3A_717, %dma_start3A_718] : memref<100000x64xf32, #tpu.memory_space<hbm>> -> memref<100000x64xf32, #tpu.memory_space<hbm>>
        tpu.enqueue_indirect_dma source(%dma_start3A_719 : memref<100000x64xf32, #tpu.memory_space<hbm>>) target(%dma_start3A_713 : memref<128x64xf32, #tpu.memory_space<vmem>>) offsets(%dma_start3A_716 : memref<128xi32, #tpu.memory_space<vmem>>) semaphore(%arg15 : memref<!tpu.dma_semaphore, #tpu.memory_space<semaphore_mem>>)
      } else {
      }
      %dma_wait3A_449 = arith.constant 1 : i32
      %dma_wait3A_450 = arith.constant 0 : i32
      %dma_wait3A_451 = arith.constant 1 : i32
      %dma_wait3A_452 = arith.constant 0 : i32
      %dma_wait3A_453 = arith.constant 0 : i32
      %dma_wait3A_454 = tpu.memref_slice %arg11[%dma_wait3A_451, %dma_wait3A_452, %dma_wait3A_453] : memref<2x128x64xf32, #tpu.memory_space<vmem>> -> memref<1x128x64xf32, #tpu.memory_space<vmem>>
      %dma_wait3A_455 = tpu.memref_squeeze %dma_wait3A_454 : memref<1x128x64xf32, #tpu.memory_space<vmem>> -> memref<128x64xf32, #tpu.memory_space<vmem>>
      %dma_wait3A_456 = arith.constant 0 : i32
      %dma_wait3A_457 = tpu.memref_slice %arg10[%dma_wait3A_449, %dma_wait3A_450, %dma_wait3A_456] : memref<2x4x128xi32, #tpu.memory_space<vmem>> -> memref<1x1x128xi32, #tpu.memory_space<vmem>>
      %dma_wait3A_458 = tpu.memref_squeeze %dma_wait3A_457 : memref<1x1x128xi32, #tpu.memory_space<vmem>> -> memref<128xi32, #tpu.memory_space<vmem>>
      %dma_wait3A_459 = arith.constant 0 : i32
      %dma_wait3A_460 = arith.constant 0 : i32
      %dma_wait3A_461 = tpu.memref_slice %arg6[%dma_wait3A_459, %dma_wait3A_460] : memref<100000x64xf32, #tpu.memory_space<hbm>> -> memref<100000x64xf32, #tpu.memory_space<hbm>>
      tpu.wait_indirect_dma semaphore(%arg16 : memref<!tpu.dma_semaphore, #tpu.memory_space<semaphore_mem>>) src(%dma_wait3A_461 : memref<100000x64xf32, #tpu.memory_space<hbm>>) dst(%dma_wait3A_455 : memref<128x64xf32, #tpu.memory_space<vmem>>)
      %dma_wait3A_462 = arith.constant 1 : i32
      %dma_wait3A_463 = arith.constant 1 : i32
      %dma_wait3A_464 = arith.constant 1 : i32
      %dma_wait3A_465 = arith.constant 0 : i32
      %dma_wait3A_466 = arith.constant 0 : i32
      %dma_wait3A_467 = tpu.memref_slice %arg12[%dma_wait3A_464, %dma_wait3A_465, %dma_wait3A_466] : memref<2x128x64xf32, #tpu.memory_space<vmem>> -> memref<1x128x64xf32, #tpu.memory_space<vmem>>
      %dma_wait3A_468 = tpu.memref_squeeze %dma_wait3A_467 : memref<1x128x64xf32, #tpu.memory_space<vmem>> -> memref<128x64xf32, #tpu.memory_space<vmem>>
      %dma_wait3A_469 = arith.constant 0 : i32
      %dma_wait3A_470 = tpu.memref_slice %arg10[%dma_wait3A_462, %dma_wait3A_463, %dma_wait3A_469] : memref<2x4x128xi32, #tpu.memory_space<vmem>> -> memref<1x1x128xi32, #tpu.memory_space<vmem>>
      %dma_wait3A_471 = tpu.memref_squeeze %dma_wait3A_470 : memref<1x1x128xi32, #tpu.memory_space<vmem>> -> memref<128xi32, #tpu.memory_space<vmem>>
      %dma_wait3A_472 = arith.constant 0 : i32
      %dma_wait3A_473 = arith.constant 0 : i32
      %dma_wait3A_474 = tpu.memref_slice %arg7[%dma_wait3A_472, %dma_wait3A_473] : memref<100001x64xf32, #tpu.memory_space<hbm>> -> memref<100001x64xf32, #tpu.memory_space<hbm>>
      tpu.wait_indirect_dma semaphore(%arg16 : memref<!tpu.dma_semaphore, #tpu.memory_space<semaphore_mem>>) src(%dma_wait3A_474 : memref<100001x64xf32, #tpu.memory_space<hbm>>) dst(%dma_wait3A_468 : memref<128x64xf32, #tpu.memory_space<vmem>>)
      %dma_wait3A_475 = arith.constant 1 : i32
      %dma_wait3A_476 = arith.constant 2 : i32
      %dma_wait3A_477 = arith.constant 1 : i32
      %dma_wait3A_478 = arith.constant 0 : i32
      %dma_wait3A_479 = arith.constant 0 : i32
      %dma_wait3A_480 = tpu.memref_slice %arg13[%dma_wait3A_477, %dma_wait3A_478, %dma_wait3A_479] : memref<2x128x64xf32, #tpu.memory_space<vmem>> -> memref<1x128x64xf32, #tpu.memory_space<vmem>>
      %dma_wait3A_481 = tpu.memref_squeeze %dma_wait3A_480 : memref<1x128x64xf32, #tpu.memory_space<vmem>> -> memref<128x64xf32, #tpu.memory_space<vmem>>
      %dma_wait3A_482 = arith.constant 0 : i32
      %dma_wait3A_483 = tpu.memref_slice %arg10[%dma_wait3A_475, %dma_wait3A_476, %dma_wait3A_482] : memref<2x4x128xi32, #tpu.memory_space<vmem>> -> memref<1x1x128xi32, #tpu.memory_space<vmem>>
      %dma_wait3A_484 = tpu.memref_squeeze %dma_wait3A_483 : memref<1x1x128xi32, #tpu.memory_space<vmem>> -> memref<128xi32, #tpu.memory_space<vmem>>
      %dma_wait3A_485 = arith.constant 0 : i32
      %dma_wait3A_486 = arith.constant 0 : i32
      %dma_wait3A_487 = tpu.memref_slice %arg8[%dma_wait3A_485, %dma_wait3A_486] : memref<1000x64xf32, #tpu.memory_space<hbm>> -> memref<1000x64xf32, #tpu.memory_space<hbm>>
      tpu.wait_indirect_dma semaphore(%arg16 : memref<!tpu.dma_semaphore, #tpu.memory_space<semaphore_mem>>) src(%dma_wait3A_487 : memref<1000x64xf32, #tpu.memory_space<hbm>>) dst(%dma_wait3A_481 : memref<128x64xf32, #tpu.memory_space<vmem>>)
      %dma_wait3A_488 = arith.constant 1 : i32
      %dma_wait3A_489 = arith.constant 3 : i32
      %dma_wait3A_490 = arith.constant 1 : i32
      %dma_wait3A_491 = arith.constant 0 : i32
      %dma_wait3A_492 = arith.constant 0 : i32
      %dma_wait3A_493 = tpu.memref_slice %arg14[%dma_wait3A_490, %dma_wait3A_491, %dma_wait3A_492] : memref<2x128x64xf32, #tpu.memory_space<vmem>> -> memref<1x128x64xf32, #tpu.memory_space<vmem>>
      %dma_wait3A_494 = tpu.memref_squeeze %dma_wait3A_493 : memref<1x128x64xf32, #tpu.memory_space<vmem>> -> memref<128x64xf32, #tpu.memory_space<vmem>>
      %dma_wait3A_495 = arith.constant 0 : i32
      %dma_wait3A_496 = tpu.memref_slice %arg10[%dma_wait3A_488, %dma_wait3A_489, %dma_wait3A_495] : memref<2x4x128xi32, #tpu.memory_space<vmem>> -> memref<1x1x128xi32, #tpu.memory_space<vmem>>
      %dma_wait3A_497 = tpu.memref_squeeze %dma_wait3A_496 : memref<1x1x128xi32, #tpu.memory_space<vmem>> -> memref<128xi32, #tpu.memory_space<vmem>>
      %dma_wait3A_498 = arith.constant 0 : i32
      %dma_wait3A_499 = arith.constant 0 : i32
      %dma_wait3A_500 = tpu.memref_slice %arg6[%dma_wait3A_498, %dma_wait3A_499] : memref<100000x64xf32, #tpu.memory_space<hbm>> -> memref<100000x64xf32, #tpu.memory_space<hbm>>
      tpu.wait_indirect_dma semaphore(%arg16 : memref<!tpu.dma_semaphore, #tpu.memory_space<semaphore_mem>>) src(%dma_wait3A_500 : memref<100000x64xf32, #tpu.memory_space<hbm>>) dst(%dma_wait3A_494 : memref<128x64xf32, #tpu.memory_space<vmem>>)
      %add3A_501 = arith.constant 2 : i32
      %add3A_502 = arith.addi %add3A_436, %add3A_501 : i32
      %lt3A_503 = arith.constant 200 : i32
      %lt3A_504 = arith.cmpi slt, %add3A_502, %lt3A_503 : i32
      %convert_element_type3A_505 = arith.extui %lt3A_504 : i1 to i32
      %cond3A_506 = arith.constant 0 : i32
      %cond3A_507 = arith.cmpi ne, %convert_element_type3A_505, %cond3A_506 : i32
      scf.if %cond3A_507 {
        %add3A_620 = arith.addi %mul3A_2, %add3A_436 : i32
        %add3A_621 = arith.constant 2 : i32
        %add3A_622 = arith.addi %add3A_620, %add3A_621 : i32
        %mul3A_623 = arith.constant 128 : i32
        %mul3A_624 = arith.muli %add3A_622, %mul3A_623 : i32
        %dma_start3A_625 = arith.constant 1 : i32
        %dma_start3A_626 = arith.constant 0 : i32
        %dma_start3A_627 = arith.constant 0 : i32
        %dma_start3A_628 = tpu.memref_slice %arg10[%dma_start3A_625, %dma_start3A_626, %dma_start3A_627] : memref<2x4x128xi32, #tpu.memory_space<vmem>> -> memref<1x1x128xi32, #tpu.memory_space<vmem>>
        %dma_start3A_629 = tpu.memref_squeeze %dma_start3A_628 : memref<1x1x128xi32, #tpu.memory_space<vmem>> -> memref<128xi32, #tpu.memory_space<vmem>>
        %dma_start3A_630 = tpu.memref_slice %arg2[%mul3A_624] : memref<819200xi32, #tpu.memory_space<hbm>> -> memref<128xi32, #tpu.memory_space<hbm>>
        %dma_start3A_631 = arith.constant 0 : i32
        %dma_start3A_632 = tpu.memref_slice %arg10[%dma_start3A_625, %dma_start3A_626, %dma_start3A_631] : memref<2x4x128xi32, #tpu.memory_space<vmem>> -> memref<1x1x128xi32, #tpu.memory_space<vmem>>
        %dma_start3A_633 = tpu.memref_squeeze %dma_start3A_632 : memref<1x1x128xi32, #tpu.memory_space<vmem>> -> memref<128xi32, #tpu.memory_space<vmem>>
        %dma_start3A_634 = tpu.memref_slice %arg2[%mul3A_624] : memref<819200xi32, #tpu.memory_space<hbm>> -> memref<128xi32, #tpu.memory_space<hbm>>
        tpu.enqueue_dma source(%dma_start3A_634 : memref<128xi32, #tpu.memory_space<hbm>>) target(%dma_start3A_633 : memref<128xi32, #tpu.memory_space<vmem>>) target_semaphore(%arg20 : memref<!tpu.dma_semaphore, #tpu.memory_space<semaphore_mem>>)
        %dma_start3A_635 = arith.constant 1 : i32
        %dma_start3A_636 = arith.constant 1 : i32
        %dma_start3A_637 = arith.constant 0 : i32
        %dma_start3A_638 = tpu.memref_slice %arg10[%dma_start3A_635, %dma_start3A_636, %dma_start3A_637] : memref<2x4x128xi32, #tpu.memory_space<vmem>> -> memref<1x1x128xi32, #tpu.memory_space<vmem>>
        %dma_start3A_639 = tpu.memref_squeeze %dma_start3A_638 : memref<1x1x128xi32, #tpu.memory_space<vmem>> -> memref<128xi32, #tpu.memory_space<vmem>>
        %dma_start3A_640 = tpu.memref_slice %arg3[%mul3A_624] : memref<819200xi32, #tpu.memory_space<hbm>> -> memref<128xi32, #tpu.memory_space<hbm>>
        %dma_start3A_641 = arith.constant 0 : i32
        %dma_start3A_642 = tpu.memref_slice %arg10[%dma_start3A_635, %dma_start3A_636, %dma_start3A_641] : memref<2x4x128xi32, #tpu.memory_space<vmem>> -> memref<1x1x128xi32, #tpu.memory_space<vmem>>
        %dma_start3A_643 = tpu.memref_squeeze %dma_start3A_642 : memref<1x1x128xi32, #tpu.memory_space<vmem>> -> memref<128xi32, #tpu.memory_space<vmem>>
        %dma_start3A_644 = tpu.memref_slice %arg3[%mul3A_624] : memref<819200xi32, #tpu.memory_space<hbm>> -> memref<128xi32, #tpu.memory_space<hbm>>
        tpu.enqueue_dma source(%dma_start3A_644 : memref<128xi32, #tpu.memory_space<hbm>>) target(%dma_start3A_643 : memref<128xi32, #tpu.memory_space<vmem>>) target_semaphore(%arg20 : memref<!tpu.dma_semaphore, #tpu.memory_space<semaphore_mem>>)
        %dma_start3A_645 = arith.constant 1 : i32
        %dma_start3A_646 = arith.constant 2 : i32
        %dma_start3A_647 = arith.constant 0 : i32
        %dma_start3A_648 = tpu.memref_slice %arg10[%dma_start3A_645, %dma_start3A_646, %dma_start3A_647] : memref<2x4x128xi32, #tpu.memory_space<vmem>> -> memref<1x1x128xi32, #tpu.memory_space<vmem>>
        %dma_start3A_649 = tpu.memref_squeeze %dma_start3A_648 : memref<1x1x128xi32, #tpu.memory_space<vmem>> -> memref<128xi32, #tpu.memory_space<vmem>>
        %dma_start3A_650 = tpu.memref_slice %arg4[%mul3A_624] : memref<819200xi32, #tpu.memory_space<hbm>> -> memref<128xi32, #tpu.memory_space<hbm>>
        %dma_start3A_651 = arith.constant 0 : i32
        %dma_start3A_652 = tpu.memref_slice %arg10[%dma_start3A_645, %dma_start3A_646, %dma_start3A_651] : memref<2x4x128xi32, #tpu.memory_space<vmem>> -> memref<1x1x128xi32, #tpu.memory_space<vmem>>
        %dma_start3A_653 = tpu.memref_squeeze %dma_start3A_652 : memref<1x1x128xi32, #tpu.memory_space<vmem>> -> memref<128xi32, #tpu.memory_space<vmem>>
        %dma_start3A_654 = tpu.memref_slice %arg4[%mul3A_624] : memref<819200xi32, #tpu.memory_space<hbm>> -> memref<128xi32, #tpu.memory_space<hbm>>
        tpu.enqueue_dma source(%dma_start3A_654 : memref<128xi32, #tpu.memory_space<hbm>>) target(%dma_start3A_653 : memref<128xi32, #tpu.memory_space<vmem>>) target_semaphore(%arg20 : memref<!tpu.dma_semaphore, #tpu.memory_space<semaphore_mem>>)
        %dma_start3A_655 = arith.constant 1 : i32
        %dma_start3A_656 = arith.constant 3 : i32
        %dma_start3A_657 = arith.constant 0 : i32
        %dma_start3A_658 = tpu.memref_slice %arg10[%dma_start3A_655, %dma_start3A_656, %dma_start3A_657] : memref<2x4x128xi32, #tpu.memory_space<vmem>> -> memref<1x1x128xi32, #tpu.memory_space<vmem>>
        %dma_start3A_659 = tpu.memref_squeeze %dma_start3A_658 : memref<1x1x128xi32, #tpu.memory_space<vmem>> -> memref<128xi32, #tpu.memory_space<vmem>>
        %dma_start3A_660 = tpu.memref_slice %arg5[%mul3A_624] : memref<819200xi32, #tpu.memory_space<hbm>> -> memref<128xi32, #tpu.memory_space<hbm>>
        %dma_start3A_661 = arith.constant 0 : i32
        %dma_start3A_662 = tpu.memref_slice %arg10[%dma_start3A_655, %dma_start3A_656, %dma_start3A_661] : memref<2x4x128xi32, #tpu.memory_space<vmem>> -> memref<1x1x128xi32, #tpu.memory_space<vmem>>
        %dma_start3A_663 = tpu.memref_squeeze %dma_start3A_662 : memref<1x1x128xi32, #tpu.memory_space<vmem>> -> memref<128xi32, #tpu.memory_space<vmem>>
        %dma_start3A_664 = tpu.memref_slice %arg5[%mul3A_624] : memref<819200xi32, #tpu.memory_space<hbm>> -> memref<128xi32, #tpu.memory_space<hbm>>
        tpu.enqueue_dma source(%dma_start3A_664 : memref<128xi32, #tpu.memory_space<hbm>>) target(%dma_start3A_663 : memref<128xi32, #tpu.memory_space<vmem>>) target_semaphore(%arg20 : memref<!tpu.dma_semaphore, #tpu.memory_space<semaphore_mem>>)
      } else {
      }
      %scan3A_508 = arith.constant 0 : i32
      %scan3A_509 = arith.constant 0 : i32
      %scan3A_510 = arith.constant 128 : i32
      %scan3A_511 = arith.addi %scan3A_509, %scan3A_510 : i32
      %scan3A_512 = arith.constant 1 : i32
      scf.for %scan3A_620 = %scan3A_509 to %scan3A_511 step %scan3A_512  : i32 {
        %get3A = arith.constant 1 : i32
        %get3A_621 = arith.index_cast %get3A : i32 to index
        %get3A_622 = arith.index_cast %scan3A_620 : i32 to index
        %get3A_623 = arith.constant 0 : index
        %get3A_624 = tpu.vector_load %arg11[%get3A_621, %get3A_622, %get3A_623] {strides = array<i32>} : memref<2x128x64xf32, #tpu.memory_space<vmem>>, vector<1x1x16xf32>,
        %get3A_625 = vector.shape_cast %get3A_624 : vector<1x1x16xf32> to vector<16xf32>
        %get3A_626 = arith.constant 1 : i32
        %get3A_627 = arith.index_cast %get3A_626 : i32 to index
        %get3A_628 = arith.index_cast %scan3A_620 : i32 to index
        %get3A_629 = arith.constant 0 : index
        %get3A_630 = tpu.vector_load %arg12[%get3A_627, %get3A_628, %get3A_629] {strides = array<i32>} : memref<2x128x64xf32, #tpu.memory_space<vmem>>, vector<1x1x16xf32>,
        %get3A_631 = vector.shape_cast %get3A_630 : vector<1x1x16xf32> to vector<16xf32>
        %add3A_632 = arith.addf %get3A_625, %get3A_631 : vector<16xf32>
        %swap3A = arith.constant 1 : i32
        %swap3A_633 = arith.index_cast %swap3A : i32 to index
        %swap3A_634 = arith.index_cast %scan3A_620 : i32 to index
        %swap3A_635 = arith.constant 0 : index
        %swap3A_636 = tpu.vector_load %arg11[%swap3A_633, %swap3A_634, %swap3A_635] {strides = array<i32>} : memref<2x128x64xf32, #tpu.memory_space<vmem>>, vector<1x1x16xf32>,
        %swap3A_637 = vector.shape_cast %swap3A_636 : vector<1x1x16xf32> to vector<16xf32>
        %swap3A_638 = vector.shape_cast %add3A_632 : vector<16xf32> to vector<1x1x16xf32>
        tpu.vector_store %arg11[%swap3A_633, %swap3A_634, %swap3A_635], %swap3A_638 {strides = array<i32>} : memref<2x128x64xf32, #tpu.memory_space<vmem>>, vector<1x1x16xf32>,
        %get3A_639 = arith.constant 1 : i32
        %get3A_640 = arith.index_cast %get3A_639 : i32 to index
        %get3A_641 = arith.index_cast %scan3A_620 : i32 to index
        %get3A_642 = arith.constant 16 : index
        %get3A_643 = tpu.vector_load %arg11[%get3A_640, %get3A_641, %get3A_642] {strides = array<i32>} : memref<2x128x64xf32, #tpu.memory_space<vmem>>, vector<1x1x16xf32>,
        %get3A_644 = vector.shape_cast %get3A_643 : vector<1x1x16xf32> to vector<16xf32>
        %get3A_645 = arith.constant 1 : i32
        %get3A_646 = arith.index_cast %get3A_645 : i32 to index
        %get3A_647 = arith.index_cast %scan3A_620 : i32 to index
        %get3A_648 = arith.constant 16 : index
        %get3A_649 = tpu.vector_load %arg12[%get3A_646, %get3A_647, %get3A_648] {strides = array<i32>} : memref<2x128x64xf32, #tpu.memory_space<vmem>>, vector<1x1x16xf32>,
        %get3A_650 = vector.shape_cast %get3A_649 : vector<1x1x16xf32> to vector<16xf32>
        %add3A_651 = arith.addf %get3A_644, %get3A_650 : vector<16xf32>
        %swap3A_652 = arith.constant 1 : i32
        %swap3A_653 = arith.index_cast %swap3A_652 : i32 to index
        %swap3A_654 = arith.index_cast %scan3A_620 : i32 to index
        %swap3A_655 = arith.constant 16 : index
        %swap3A_656 = tpu.vector_load %arg11[%swap3A_653, %swap3A_654, %swap3A_655] {strides = array<i32>} : memref<2x128x64xf32, #tpu.memory_space<vmem>>, vector<1x1x16xf32>,
        %swap3A_657 = vector.shape_cast %swap3A_656 : vector<1x1x16xf32> to vector<16xf32>
        %swap3A_658 = vector.shape_cast %add3A_651 : vector<16xf32> to vector<1x1x16xf32>
        tpu.vector_store %arg11[%swap3A_653, %swap3A_654, %swap3A_655], %swap3A_658 {strides = array<i32>} : memref<2x128x64xf32, #tpu.memory_space<vmem>>, vector<1x1x16xf32>,
        %get3A_659 = arith.constant 1 : i32
        %get3A_660 = arith.index_cast %get3A_659 : i32 to index
        %get3A_661 = arith.index_cast %scan3A_620 : i32 to index
        %get3A_662 = arith.constant 32 : index
        %get3A_663 = tpu.vector_load %arg11[%get3A_660, %get3A_661, %get3A_662] {strides = array<i32>} : memref<2x128x64xf32, #tpu.memory_space<vmem>>, vector<1x1x16xf32>,
        %get3A_664 = vector.shape_cast %get3A_663 : vector<1x1x16xf32> to vector<16xf32>
        %get3A_665 = arith.constant 1 : i32
        %get3A_666 = arith.index_cast %get3A_665 : i32 to index
        %get3A_667 = arith.index_cast %scan3A_620 : i32 to index
        %get3A_668 = arith.constant 32 : index
        %get3A_669 = tpu.vector_load %arg12[%get3A_666, %get3A_667, %get3A_668] {strides = array<i32>} : memref<2x128x64xf32, #tpu.memory_space<vmem>>, vector<1x1x16xf32>,
        %get3A_670 = vector.shape_cast %get3A_669 : vector<1x1x16xf32> to vector<16xf32>
        %add3A_671 = arith.addf %get3A_664, %get3A_670 : vector<16xf32>
        %swap3A_672 = arith.constant 1 : i32
        %swap3A_673 = arith.index_cast %swap3A_672 : i32 to index
        %swap3A_674 = arith.index_cast %scan3A_620 : i32 to index
        %swap3A_675 = arith.constant 32 : index
        %swap3A_676 = tpu.vector_load %arg11[%swap3A_673, %swap3A_674, %swap3A_675] {strides = array<i32>} : memref<2x128x64xf32, #tpu.memory_space<vmem>>, vector<1x1x16xf32>,
        %swap3A_677 = vector.shape_cast %swap3A_676 : vector<1x1x16xf32> to vector<16xf32>
        %swap3A_678 = vector.shape_cast %add3A_671 : vector<16xf32> to vector<1x1x16xf32>
        tpu.vector_store %arg11[%swap3A_673, %swap3A_674, %swap3A_675], %swap3A_678 {strides = array<i32>} : memref<2x128x64xf32, #tpu.memory_space<vmem>>, vector<1x1x16xf32>,
        %get3A_679 = arith.constant 1 : i32
        %get3A_680 = arith.index_cast %get3A_679 : i32 to index
        %get3A_681 = arith.index_cast %scan3A_620 : i32 to index
        %get3A_682 = arith.constant 48 : index
        %get3A_683 = tpu.vector_load %arg11[%get3A_680, %get3A_681, %get3A_682] {strides = array<i32>} : memref<2x128x64xf32, #tpu.memory_space<vmem>>, vector<1x1x16xf32>,
        %get3A_684 = vector.shape_cast %get3A_683 : vector<1x1x16xf32> to vector<16xf32>
        %get3A_685 = arith.constant 1 : i32
        %get3A_686 = arith.index_cast %get3A_685 : i32 to index
        %get3A_687 = arith.index_cast %scan3A_620 : i32 to index
        %get3A_688 = arith.constant 48 : index
        %get3A_689 = tpu.vector_load %arg12[%get3A_686, %get3A_687, %get3A_688] {strides = array<i32>} : memref<2x128x64xf32, #tpu.memory_space<vmem>>, vector<1x1x16xf32>,
        %get3A_690 = vector.shape_cast %get3A_689 : vector<1x1x16xf32> to vector<16xf32>
        %add3A_691 = arith.addf %get3A_684, %get3A_690 : vector<16xf32>
        %swap3A_692 = arith.constant 1 : i32
        %swap3A_693 = arith.index_cast %swap3A_692 : i32 to index
        %swap3A_694 = arith.index_cast %scan3A_620 : i32 to index
        %swap3A_695 = arith.constant 48 : index
        %swap3A_696 = tpu.vector_load %arg11[%swap3A_693, %swap3A_694, %swap3A_695] {strides = array<i32>} : memref<2x128x64xf32, #tpu.memory_space<vmem>>, vector<1x1x16xf32>,
        %swap3A_697 = vector.shape_cast %swap3A_696 : vector<1x1x16xf32> to vector<16xf32>
        %swap3A_698 = vector.shape_cast %add3A_691 : vector<16xf32> to vector<1x1x16xf32>
        tpu.vector_store %arg11[%swap3A_693, %swap3A_694, %swap3A_695], %swap3A_698 {strides = array<i32>} : memref<2x128x64xf32, #tpu.memory_space<vmem>>, vector<1x1x16xf32>,
      }
      %scan3A_513 = arith.constant 128 : i32
      %add3A_514 = arith.addi %mul3A_2, %add3A_436 : i32
      %jit3A_515 = arith.constant 32 : i32
      %div3A_516 = arith.divsi %add3A_514, %jit3A_515 : i32
      %sign3A_517 = arith.constant 0 : i32
      %sign3A_518 = arith.cmpi sgt, %add3A_514, %sign3A_517 : i32
      %sign3A_519 = arith.extui %sign3A_518 : i1 to i32
      %sign3A_520 = arith.constant 0 : i32
      %sign3A_521 = arith.cmpi slt, %add3A_514, %sign3A_520 : i32
      %sign3A_522 = arith.extui %sign3A_521 : i1 to i32
      %sign3A_523 = arith.subi %sign3A_519, %sign3A_522 : i32
      %sign3A_524 = arith.constant 0 : i32
      %sign3A_525 = arith.cmpi sgt, %jit3A_515, %sign3A_524 : i32
      %sign3A_526 = arith.extui %sign3A_525 : i1 to i32
      %sign3A_527 = arith.constant 0 : i32
      %sign3A_528 = arith.cmpi slt, %jit3A_515, %sign3A_527 : i32
      %sign3A_529 = arith.extui %sign3A_528 : i1 to i32
      %sign3A_530 = arith.subi %sign3A_526, %sign3A_529 : i32
      %ne3A_531 = arith.cmpi ne, %sign3A_523, %sign3A_530 : i32
      %rem3A_532 = arith.remsi %add3A_514, %jit3A_515 : i32
      %ne3A_533 = arith.constant 0 : i32
      %ne3A_534 = arith.cmpi ne, %rem3A_532, %ne3A_533 : i32
      %and3A_535 = arith.andi %ne3A_531, %ne3A_534 : i1
      %sub3A_536 = arith.constant 1 : i32
      %sub3A_537 = arith.subi %div3A_516, %sub3A_536 : i32
      %select_n3A_538 = arith.select %and3A_535, %sub3A_537, %div3A_516 : i32
      %jit3A_539 = arith.constant 32 : i32
      %eq3A_540 = arith.constant 0 : i32
      %eq3A_541 = arith.cmpi eq, %jit3A_539, %eq3A_540 : i32
      %jit3A_542 = arith.constant 1 : i32
      %select_n3A_543 = arith.select %eq3A_541, %jit3A_542, %jit3A_539 : i32
      %rem3A_544 = arith.remsi %add3A_514, %select_n3A_543 : i32
      %ne3A_545 = arith.constant 0 : i32
      %ne3A_546 = arith.cmpi ne, %rem3A_544, %ne3A_545 : i32
      %lt3A_547 = arith.constant 0 : i32
      %lt3A_548 = arith.cmpi slt, %rem3A_544, %lt3A_547 : i32
      %lt3A_549 = arith.constant 0 : i32
      %lt3A_550 = arith.cmpi slt, %select_n3A_543, %lt3A_549 : i32
      %ne3A_551 = arith.xori %lt3A_548, %lt3A_550 : i1
      %and3A_552 = arith.andi %ne3A_551, %ne3A_546 : i1
      %add3A_553 = arith.addi %rem3A_544, %select_n3A_543 : i32
      %select_n3A_554 = arith.select %and3A_552, %add3A_553, %rem3A_544 : i32
      %mul3A_555 = arith.constant 128 : i32
      %mul3A_556 = arith.muli %select_n3A_554, %mul3A_555 : i32
      %dma_start3A_557 = arith.constant 1 : i32
      %dma_start3A_558 = arith.constant 0 : i32
      %dma_start3A_559 = arith.constant 0 : i32
      %dma_start3A_560 = tpu.memref_slice %arg11[%dma_start3A_557, %dma_start3A_558, %dma_start3A_559] : memref<2x128x64xf32, #tpu.memory_space<vmem>> -> memref<1x128x64xf32, #tpu.memory_space<vmem>>
      %dma_start3A_561 = tpu.memref_squeeze %dma_start3A_560 : memref<1x128x64xf32, #tpu.memory_space<vmem>> -> memref<128x64xf32, #tpu.memory_space<vmem>>
      %dma_start3A_562 = arith.constant 0 : i32
      %dma_start3A_563 = tpu.memref_slice %arg9[%select_n3A_538, %mul3A_556, %dma_start3A_562] : memref<200x4096x192xf32, #tpu.memory_space<hbm>> -> memref<1x128x192xf32, #tpu.memory_space<hbm>>
      %dma_start3A_564 = tpu.memref_squeeze %dma_start3A_563 : memref<1x128x192xf32, #tpu.memory_space<hbm>> -> memref<128x192xf32, #tpu.memory_space<hbm>>
      %dma_start3A_565 = arith.constant 0 : i32
      %dma_start3A_566 = arith.constant 0 : i32
      %dma_start3A_567 = tpu.memref_slice %dma_start3A_564[%dma_start3A_565, %dma_start3A_566] : memref<128x192xf32, #tpu.memory_space<hbm>> -> memref<128x64xf32, #tpu.memory_space<hbm>>
      %dma_start3A_568 = arith.constant 0 : i32
      %dma_start3A_569 = tpu.memref_slice %arg9[%select_n3A_538, %mul3A_556, %dma_start3A_568] : memref<200x4096x192xf32, #tpu.memory_space<hbm>> -> memref<1x128x192xf32, #tpu.memory_space<hbm>>
      %dma_start3A_570 = tpu.memref_squeeze %dma_start3A_569 : memref<1x128x192xf32, #tpu.memory_space<hbm>> -> memref<128x192xf32, #tpu.memory_space<hbm>>
      %dma_start3A_571 = arith.constant 0 : i32
      %dma_start3A_572 = arith.constant 0 : i32
      %dma_start3A_573 = tpu.memref_slice %dma_start3A_570[%dma_start3A_571, %dma_start3A_572] : memref<128x192xf32, #tpu.memory_space<hbm>> -> memref<128x64xf32, #tpu.memory_space<hbm>>
      %dma_start3A_574 = arith.constant 0 : i32
      %dma_start3A_575 = arith.constant 0 : i32
      %dma_start3A_576 = tpu.memref_slice %arg11[%dma_start3A_557, %dma_start3A_574, %dma_start3A_575] : memref<2x128x64xf32, #tpu.memory_space<vmem>> -> memref<1x128x64xf32, #tpu.memory_space<vmem>>
      %dma_start3A_577 = tpu.memref_squeeze %dma_start3A_576 : memref<1x128x64xf32, #tpu.memory_space<vmem>> -> memref<128x64xf32, #tpu.memory_space<vmem>>
      tpu.enqueue_dma source(%dma_start3A_577 : memref<128x64xf32, #tpu.memory_space<vmem>>) target(%dma_start3A_573 : memref<128x64xf32, #tpu.memory_space<hbm>>) target_semaphore(%arg18 : memref<!tpu.dma_semaphore, #tpu.memory_space<semaphore_mem>>)
      %dma_start3A_578 = arith.constant 1 : i32
      %dma_start3A_579 = arith.constant 0 : i32
      %dma_start3A_580 = arith.constant 0 : i32
      %dma_start3A_581 = tpu.memref_slice %arg13[%dma_start3A_578, %dma_start3A_579, %dma_start3A_580] : memref<2x128x64xf32, #tpu.memory_space<vmem>> -> memref<1x128x64xf32, #tpu.memory_space<vmem>>
      %dma_start3A_582 = tpu.memref_squeeze %dma_start3A_581 : memref<1x128x64xf32, #tpu.memory_space<vmem>> -> memref<128x64xf32, #tpu.memory_space<vmem>>
      %dma_start3A_583 = arith.constant 0 : i32
      %dma_start3A_584 = tpu.memref_slice %arg9[%select_n3A_538, %mul3A_556, %dma_start3A_583] : memref<200x4096x192xf32, #tpu.memory_space<hbm>> -> memref<1x128x192xf32, #tpu.memory_space<hbm>>
      %dma_start3A_585 = tpu.memref_squeeze %dma_start3A_584 : memref<1x128x192xf32, #tpu.memory_space<hbm>> -> memref<128x192xf32, #tpu.memory_space<hbm>>
      %dma_start3A_586 = arith.constant 0 : i32
      %dma_start3A_587 = arith.constant 64 : i32
      %dma_start3A_588 = tpu.memref_slice %dma_start3A_585[%dma_start3A_586, %dma_start3A_587] : memref<128x192xf32, #tpu.memory_space<hbm>> -> memref<128x64xf32, #tpu.memory_space<hbm>>
      %dma_start3A_589 = arith.constant 0 : i32
      %dma_start3A_590 = tpu.memref_slice %arg9[%select_n3A_538, %mul3A_556, %dma_start3A_589] : memref<200x4096x192xf32, #tpu.memory_space<hbm>> -> memref<1x128x192xf32, #tpu.memory_space<hbm>>
      %dma_start3A_591 = tpu.memref_squeeze %dma_start3A_590 : memref<1x128x192xf32, #tpu.memory_space<hbm>> -> memref<128x192xf32, #tpu.memory_space<hbm>>
      %dma_start3A_592 = arith.constant 0 : i32
      %dma_start3A_593 = arith.constant 64 : i32
      %dma_start3A_594 = tpu.memref_slice %dma_start3A_591[%dma_start3A_592, %dma_start3A_593] : memref<128x192xf32, #tpu.memory_space<hbm>> -> memref<128x64xf32, #tpu.memory_space<hbm>>
      %dma_start3A_595 = arith.constant 0 : i32
      %dma_start3A_596 = arith.constant 0 : i32
      %dma_start3A_597 = tpu.memref_slice %arg13[%dma_start3A_578, %dma_start3A_595, %dma_start3A_596] : memref<2x128x64xf32, #tpu.memory_space<vmem>> -> memref<1x128x64xf32, #tpu.memory_space<vmem>>
      %dma_start3A_598 = tpu.memref_squeeze %dma_start3A_597 : memref<1x128x64xf32, #tpu.memory_space<vmem>> -> memref<128x64xf32, #tpu.memory_space<vmem>>
      tpu.enqueue_dma source(%dma_start3A_598 : memref<128x64xf32, #tpu.memory_space<vmem>>) target(%dma_start3A_594 : memref<128x64xf32, #tpu.memory_space<hbm>>) target_semaphore(%arg18 : memref<!tpu.dma_semaphore, #tpu.memory_space<semaphore_mem>>)
      %dma_start3A_599 = arith.constant 1 : i32
      %dma_start3A_600 = arith.constant 0 : i32
      %dma_start3A_601 = arith.constant 0 : i32
      %dma_start3A_602 = tpu.memref_slice %arg14[%dma_start3A_599, %dma_start3A_600, %dma_start3A_601] : memref<2x128x64xf32, #tpu.memory_space<vmem>> -> memref<1x128x64xf32, #tpu.memory_space<vmem>>
      %dma_start3A_603 = tpu.memref_squeeze %dma_start3A_602 : memref<1x128x64xf32, #tpu.memory_space<vmem>> -> memref<128x64xf32, #tpu.memory_space<vmem>>
      %dma_start3A_604 = arith.constant 0 : i32
      %dma_start3A_605 = tpu.memref_slice %arg9[%select_n3A_538, %mul3A_556, %dma_start3A_604] : memref<200x4096x192xf32, #tpu.memory_space<hbm>> -> memref<1x128x192xf32, #tpu.memory_space<hbm>>
      %dma_start3A_606 = tpu.memref_squeeze %dma_start3A_605 : memref<1x128x192xf32, #tpu.memory_space<hbm>> -> memref<128x192xf32, #tpu.memory_space<hbm>>
      %dma_start3A_607 = arith.constant 0 : i32
      %dma_start3A_608 = arith.constant 128 : i32
      %dma_start3A_609 = tpu.memref_slice %dma_start3A_606[%dma_start3A_607, %dma_start3A_608] : memref<128x192xf32, #tpu.memory_space<hbm>> -> memref<128x64xf32, #tpu.memory_space<hbm>>
      %dma_start3A_610 = arith.constant 0 : i32
      %dma_start3A_611 = tpu.memref_slice %arg9[%select_n3A_538, %mul3A_556, %dma_start3A_610] : memref<200x4096x192xf32, #tpu.memory_space<hbm>> -> memref<1x128x192xf32, #tpu.memory_space<hbm>>
      %dma_start3A_612 = tpu.memref_squeeze %dma_start3A_611 : memref<1x128x192xf32, #tpu.memory_space<hbm>> -> memref<128x192xf32, #tpu.memory_space<hbm>>
      %dma_start3A_613 = arith.constant 0 : i32
      %dma_start3A_614 = arith.constant 128 : i32
      %dma_start3A_615 = tpu.memref_slice %dma_start3A_612[%dma_start3A_613, %dma_start3A_614] : memref<128x192xf32, #tpu.memory_space<hbm>> -> memref<128x64xf32, #tpu.memory_space<hbm>>
      %dma_start3A_616 = arith.constant 0 : i32
      %dma_start3A_617 = arith.constant 0 : i32
      %dma_start3A_618 = tpu.memref_slice %arg14[%dma_start3A_599, %dma_start3A_616, %dma_start3A_617] : memref<2x128x64xf32, #tpu.memory_space<vmem>> -> memref<1x128x64xf32, #tpu.memory_space<vmem>>
      %dma_start3A_619 = tpu.memref_squeeze %dma_start3A_618 : memref<1x128x64xf32, #tpu.memory_space<vmem>> -> memref<128x64xf32, #tpu.memory_space<vmem>>
      tpu.enqueue_dma source(%dma_start3A_619 : memref<128x64xf32, #tpu.memory_space<vmem>>) target(%dma_start3A_615 : memref<128x64xf32, #tpu.memory_space<hbm>>) target_semaphore(%arg18 : memref<!tpu.dma_semaphore, #tpu.memory_space<semaphore_mem>>)
    }
    %scan3A_185 = arith.constant 100 : i32
    %dma_wait3A_186 = arith.constant 1 : i32
    %dma_wait3A_187 = arith.constant 0 : i32
    %dma_wait3A_188 = arith.constant 0 : i32
    %dma_wait3A_189 = arith.constant 0 : i32
    %dma_wait3A_190 = tpu.memref_slice %arg11[%dma_wait3A_186, %dma_wait3A_188, %dma_wait3A_189] : memref<2x128x64xf32, #tpu.memory_space<vmem>> -> memref<1x128x64xf32, #tpu.memory_space<vmem>>
    %dma_wait3A_191 = tpu.memref_squeeze %dma_wait3A_190 : memref<1x128x64xf32, #tpu.memory_space<vmem>> -> memref<128x64xf32, #tpu.memory_space<vmem>>
    %dma_wait3A_192 = arith.constant 0 : i32
    %dma_wait3A_193 = arith.constant 0 : i32
    %dma_wait3A_194 = tpu.memref_slice %arg9[%dma_wait3A_187, %dma_wait3A_192, %dma_wait3A_193] : memref<200x4096x192xf32, #tpu.memory_space<hbm>> -> memref<1x128x192xf32, #tpu.memory_space<hbm>>
    %dma_wait3A_195 = tpu.memref_squeeze %dma_wait3A_194 : memref<1x128x192xf32, #tpu.memory_space<hbm>> -> memref<128x192xf32, #tpu.memory_space<hbm>>
    %dma_wait3A_196 = arith.constant 0 : i32
    %dma_wait3A_197 = arith.constant 0 : i32
    %dma_wait3A_198 = tpu.memref_slice %dma_wait3A_195[%dma_wait3A_196, %dma_wait3A_197] : memref<128x192xf32, #tpu.memory_space<hbm>> -> memref<128x64xf32, #tpu.memory_space<hbm>>
    %dma_wait3A_199 = arith.constant 0 : i32
    %dma_wait3A_200 = arith.constant 0 : i32
    %dma_wait3A_201 = tpu.memref_slice %arg9[%dma_wait3A_187, %dma_wait3A_199, %dma_wait3A_200] : memref<200x4096x192xf32, #tpu.memory_space<hbm>> -> memref<1x128x192xf32, #tpu.memory_space<hbm>>
    %dma_wait3A_202 = tpu.memref_squeeze %dma_wait3A_201 : memref<1x128x192xf32, #tpu.memory_space<hbm>> -> memref<128x192xf32, #tpu.memory_space<hbm>>
    %dma_wait3A_203 = arith.constant 0 : i32
    %dma_wait3A_204 = arith.constant 0 : i32
    %dma_wait3A_205 = tpu.memref_slice %dma_wait3A_202[%dma_wait3A_203, %dma_wait3A_204] : memref<128x192xf32, #tpu.memory_space<hbm>> -> memref<128x64xf32, #tpu.memory_space<hbm>>
    %dma_wait3A_206 = arith.constant 0 : i32
    %dma_wait3A_207 = arith.constant 0 : i32
    %dma_wait3A_208 = tpu.memref_slice %arg11[%dma_wait3A_186, %dma_wait3A_206, %dma_wait3A_207] : memref<2x128x64xf32, #tpu.memory_space<vmem>> -> memref<1x128x64xf32, #tpu.memory_space<vmem>>
    %dma_wait3A_209 = tpu.memref_squeeze %dma_wait3A_208 : memref<1x128x64xf32, #tpu.memory_space<vmem>> -> memref<128x64xf32, #tpu.memory_space<vmem>>
    tpu.wait_dma2 semaphore(%arg18 : memref<!tpu.dma_semaphore, #tpu.memory_space<semaphore_mem>>) src(%dma_wait3A_209 : memref<128x64xf32, #tpu.memory_space<vmem>>) dst(%dma_wait3A_205 : memref<128x64xf32, #tpu.memory_space<hbm>>)
    %dma_wait3A_210 = arith.constant 1 : i32
    %dma_wait3A_211 = arith.constant 0 : i32
    %dma_wait3A_212 = arith.constant 0 : i32
    %dma_wait3A_213 = arith.constant 0 : i32
    %dma_wait3A_214 = tpu.memref_slice %arg13[%dma_wait3A_210, %dma_wait3A_212, %dma_wait3A_213] : memref<2x128x64xf32, #tpu.memory_space<vmem>> -> memref<1x128x64xf32, #tpu.memory_space<vmem>>
    %dma_wait3A_215 = tpu.memref_squeeze %dma_wait3A_214 : memref<1x128x64xf32, #tpu.memory_space<vmem>> -> memref<128x64xf32, #tpu.memory_space<vmem>>
    %dma_wait3A_216 = arith.constant 0 : i32
    %dma_wait3A_217 = arith.constant 0 : i32
    %dma_wait3A_218 = tpu.memref_slice %arg9[%dma_wait3A_211, %dma_wait3A_216, %dma_wait3A_217] : memref<200x4096x192xf32, #tpu.memory_space<hbm>> -> memref<1x128x192xf32, #tpu.memory_space<hbm>>
    %dma_wait3A_219 = tpu.memref_squeeze %dma_wait3A_218 : memref<1x128x192xf32, #tpu.memory_space<hbm>> -> memref<128x192xf32, #tpu.memory_space<hbm>>
    %dma_wait3A_220 = arith.constant 0 : i32
    %dma_wait3A_221 = arith.constant 64 : i32
    %dma_wait3A_222 = tpu.memref_slice %dma_wait3A_219[%dma_wait3A_220, %dma_wait3A_221] : memref<128x192xf32, #tpu.memory_space<hbm>> -> memref<128x64xf32, #tpu.memory_space<hbm>>
    %dma_wait3A_223 = arith.constant 0 : i32
    %dma_wait3A_224 = arith.constant 0 : i32
    %dma_wait3A_225 = tpu.memref_slice %arg9[%dma_wait3A_211, %dma_wait3A_223, %dma_wait3A_224] : memref<200x4096x192xf32, #tpu.memory_space<hbm>> -> memref<1x128x192xf32, #tpu.memory_space<hbm>>
    %dma_wait3A_226 = tpu.memref_squeeze %dma_wait3A_225 : memref<1x128x192xf32, #tpu.memory_space<hbm>> -> memref<128x192xf32, #tpu.memory_space<hbm>>
    %dma_wait3A_227 = arith.constant 0 : i32
    %dma_wait3A_228 = arith.constant 64 : i32
    %dma_wait3A_229 = tpu.memref_slice %dma_wait3A_226[%dma_wait3A_227, %dma_wait3A_228] : memref<128x192xf32, #tpu.memory_space<hbm>> -> memref<128x64xf32, #tpu.memory_space<hbm>>
    %dma_wait3A_230 = arith.constant 0 : i32
    %dma_wait3A_231 = arith.constant 0 : i32
    %dma_wait3A_232 = tpu.memref_slice %arg13[%dma_wait3A_210, %dma_wait3A_230, %dma_wait3A_231] : memref<2x128x64xf32, #tpu.memory_space<vmem>> -> memref<1x128x64xf32, #tpu.memory_space<vmem>>
    %dma_wait3A_233 = tpu.memref_squeeze %dma_wait3A_232 : memref<1x128x64xf32, #tpu.memory_space<vmem>> -> memref<128x64xf32, #tpu.memory_space<vmem>>
    tpu.wait_dma2 semaphore(%arg18 : memref<!tpu.dma_semaphore, #tpu.memory_space<semaphore_mem>>) src(%dma_wait3A_233 : memref<128x64xf32, #tpu.memory_space<vmem>>) dst(%dma_wait3A_229 : memref<128x64xf32, #tpu.memory_space<hbm>>)
    %dma_wait3A_234 = arith.constant 1 : i32
    %dma_wait3A_235 = arith.constant 0 : i32
    %dma_wait3A_236 = arith.constant 0 : i32
    %dma_wait3A_237 = arith.constant 0 : i32
    %dma_wait3A_238 = tpu.memref_slice %arg14[%dma_wait3A_234, %dma_wait3A_236, %dma_wait3A_237] : memref<2x128x64xf32, #tpu.memory_space<vmem>> -> memref<1x128x64xf32, #tpu.memory_space<vmem>>
    %dma_wait3A_239 = tpu.memref_squeeze %dma_wait3A_238 : memref<1x128x64xf32, #tpu.memory_space<vmem>> -> memref<128x64xf32, #tpu.memory_space<vmem>>
    %dma_wait3A_240 = arith.constant 0 : i32
    %dma_wait3A_241 = arith.constant 0 : i32
    %dma_wait3A_242 = tpu.memref_slice %arg9[%dma_wait3A_235, %dma_wait3A_240, %dma_wait3A_241] : memref<200x4096x192xf32, #tpu.memory_space<hbm>> -> memref<1x128x192xf32, #tpu.memory_space<hbm>>
    %dma_wait3A_243 = tpu.memref_squeeze %dma_wait3A_242 : memref<1x128x192xf32, #tpu.memory_space<hbm>> -> memref<128x192xf32, #tpu.memory_space<hbm>>
    %dma_wait3A_244 = arith.constant 0 : i32
    %dma_wait3A_245 = arith.constant 128 : i32
    %dma_wait3A_246 = tpu.memref_slice %dma_wait3A_243[%dma_wait3A_244, %dma_wait3A_245] : memref<128x192xf32, #tpu.memory_space<hbm>> -> memref<128x64xf32, #tpu.memory_space<hbm>>
    %dma_wait3A_247 = arith.constant 0 : i32
    %dma_wait3A_248 = arith.constant 0 : i32
    %dma_wait3A_249 = tpu.memref_slice %arg9[%dma_wait3A_235, %dma_wait3A_247, %dma_wait3A_248] : memref<200x4096x192xf32, #tpu.memory_space<hbm>> -> memref<1x128x192xf32, #tpu.memory_space<hbm>>
    %dma_wait3A_250 = tpu.memref_squeeze %dma_wait3A_249 : memref<1x128x192xf32, #tpu.memory_space<hbm>> -> memref<128x192xf32, #tpu.memory_space<hbm>>
    %dma_wait3A_251 = arith.constant 0 : i32
    %dma_wait3A_252 = arith.constant 128 : i32
    %dma_wait3A_253 = tpu.memref_slice %dma_wait3A_250[%dma_wait3A_251, %dma_wait3A_252] : memref<128x192xf32, #tpu.memory_space<hbm>> -> memref<128x64xf32, #tpu.memory_space<hbm>>
    %dma_wait3A_254 = arith.constant 0 : i32
    %dma_wait3A_255 = arith.constant 0 : i32
    %dma_wait3A_256 = tpu.memref_slice %arg14[%dma_wait3A_234, %dma_wait3A_254, %dma_wait3A_255] : memref<2x128x64xf32, #tpu.memory_space<vmem>> -> memref<1x128x64xf32, #tpu.memory_space<vmem>>
    %dma_wait3A_257 = tpu.memref_squeeze %dma_wait3A_256 : memref<1x128x64xf32, #tpu.memory_space<vmem>> -> memref<128x64xf32, #tpu.memory_space<vmem>>
    tpu.wait_dma2 semaphore(%arg18 : memref<!tpu.dma_semaphore, #tpu.memory_space<semaphore_mem>>) src(%dma_wait3A_257 : memref<128x64xf32, #tpu.memory_space<vmem>>) dst(%dma_wait3A_253 : memref<128x64xf32, #tpu.memory_space<hbm>>)
    return
  }
}

</mosaic_0001>

<sc_bundles>
// kernel: kernel.3.cloned.1.call-start
scs
__scs_entry_jumppad:
0x0: {  	(pc) =	sbr.rel $0x88, $3  }
0x1: {  	(tag) =	ssettag $0x0;
	lr =	simm.s32 $0x1  }
0x2: {  	[smem:$0x3F9C] =	sst lr;
	_ =	strace $0xD0000000  }
0x3: {  	_ = 	snop  }
0x4: {  	_ = 	snop  }
0x5: {  	_ = 	snop  }
0x6: {  	_ = 	snop  }
0x7: {  	_ = 	snop  }
__scs_overlays_trampoline_lowered:
0x8: {  	[smem:$0x3FAB] =	sst s0  }
0x9: {  	[smem:$0x3FAC] =	sst s1  }
0xa: {  	[smem:$0x3FAD] =	sst s2  }
0xb: {  	[smem:$0x3FAE] =	sst s3  }
0xc: {  	[smem:$0x3FAF] =	sst s4  }
0xd: {  	[smem:$0x3FB0] =	sst s5  }
0xe: {  	[smem:$0x3FB1] =	sst s6  }
0xf: {  	[smem:$0x3FB2] =	sst s7  }
0x10: {  	[smem:$0x3FB3] =	sst s8  }
0x11: {  	[smem:$0x3FB4] =	sst s9;
	s0 =	simm.s32 @!p0 $0x0  }
0x12: {  	s1 =	sld [smem:$0x3F9A];
	s0 =	simm.s32 @p0 $0x1  }
0x13: {  	[smem:$0x3FB5] =	sst s0;
	s0 =	simm.s32 @!p1 $0x0  }
0x14: {  	s2 =	sld [smem:$0x3F99];
	s0 =	simm.s32 @p1 $0x1  }
0x15: {  	[smem:$0x3FB6] =	sst s0;
	s0 =	simm.s32 @!p2 $0x0  }
0x16: {  	s3 =	sld [smem:$0x3FDB];
	s0 =	simm.s32 @p2 $0x1  }
0x17: {  	s4 =	simm.s32 $0x1BF5;
	[smem:$0x3FB8] =	sst s0  }
0x18: {  	s0 =	sld [smem:$0x3F9B];
	_ =	swait.ge [sflag:s4], $0x0  }
0x19: {  	s7 =	sld [smem:$0x3F9C]  }
0x1a: {  	s8 =	sadd.s32 $0xFFFFE003, lr  }
0x1b: {  	s9 =	sadd.s32 $0xFFFFFEF7, lr;
	s5 =	simm.s32 $0xFFFFFFFF;
	p2 =	slt.u32 s8, $0xFFFFF086  }
0x1c: {  	p1 =	slt.u32 s9, $0xF7A;
	s5 =	simm.s32 @!p2 $0x0  }
0x1d: {  	s5 =	simm.s32 @p1 $0x1;
	p0 =	seq.s32 s7, s2  }
0x1e: {  	s7 =	smul.u32 @!p0 $0xF7A, s2;
	p2 =	seq.s32 @!p0 s5, $0x0  }
0x1f: {  	s9 =	smul.u32 $0xF7A, s1;
	s8 =	simm.s32 @!p0 $0x1BF5;
	p2 =	por !p2, p0  }
0x20: {  	[sflag:s8] =	ssyncset.s32 @!p0 $0xFFFFF086;
	s6 =	sadd.s32 @!p0 s3, s7;
	s7 =	simm.s32 @!p0 $0x108  }
0x21: {  	s3 =	sadd.s32 s3, s9;
	s6 =	sadd.s32 @!p0 $0x88, s6;
	s7 =	simm.s32 @p2 $0x1082  }
0x22: {  	[simem:s7], [sflag:s8] =	dma.local @!p0 [hbm:s6], $0xF7A  }
0x23: {  	s9 =	sor.u32 $0xD0000000, s2;
	s6 =	simm.s32 $0x108;
	_ =	swait.ge @!p0 [sflag:s8], $0x0  }
0x24: {  	s3 =	sadd.s32 $0x88, s3;
	s6 =	simm.s32 @!p1 $0x1082;
	[sflag:s4] =	ssyncset.s32 $0xFFFFF086  }
0x25: {  	[simem:s6], [sflag:s4] =	dma.local [hbm:s3], $0xF7A  }
0x26: {  	[smem:$0x3F9C] =	sst s1;
	(tag) =	ssettag s2;
	_ =	strace s9  }
0x27: {  	s1 =	sld [smem:$0x3FAC]  }
0x28: {  	s2 =	sld [smem:$0x3FAD]  }
0x29: {  	s4 =	sld [smem:$0x3FAF]  }
0x2a: {  	p0 =	seq.s32 s5, $0x0;
	s5 =	sld [smem:$0x3FB0]  }
0x2b: {  	s6 =	sld [smem:$0x3FB1]  }
0x2c: {  	s7 =	sld [smem:$0x3FB2]  }
0x2d: {  	s3 =	simm.s32 $0x108;
	s8 =	sld [smem:$0x3FB3]  }
0x2e: {  	s3 =	simm.s32 @!p0 $0x1082;
	s9 =	sld [smem:$0x3FB4]  }
0x2f: {  	lr =	sadd.s32 s0, s3;
	s0 =	sld [smem:$0x3FAB]  }
0x30: {  	s3 =	sld [smem:$0x3FAE]  }
0x31: {  	[smem:$0x3FB7] =	sst s10  }
0x32: {  	s10 =	sld [smem:$0x3FB5];
	_ =	sdelay $0x3  }
0x33: {  	p0 =	seq.s32 s10, $0x1;
	s10 =	sld [smem:$0x3FB7];
	_ =	sdelay $0x3  }
0x34: {  	[smem:$0x3FB7] =	sst s10  }
0x35: {  	s10 =	sld [smem:$0x3FB6];
	_ =	sdelay $0x3  }
0x36: {  	p1 =	seq.s32 s10, $0x1;
	s10 =	sld [smem:$0x3FB7];
	_ =	sdelay $0x3  }
0x37: {  	[smem:$0x3FB7] =	sst s10  }
0x38: {  	s10 =	sld [smem:$0x3FB8]  }
0x39: {  	_ = 	snop;
	(pc) =	sbr.ind lr, $3  }
0x3a: {  	_ = 	snop  }
0x3b: {  	_ = 	snop  }
0x3c: {  	p2 =	seq.s32 s10, $0x1;
	s10 =	sld [smem:$0x3FB7]  }
0x3d: {  	_ =	shalt  }
0x3e: {  	_ =	shalt  }
0x3f: {  	_ =	shalt  }
0x40: {  	_ =	shalt  }
0x41: {  	_ =	shalt  }
0x42: {  	_ =	shalt  }
0x43: {  	_ =	shalt  }
0x44: {  	_ =	shalt  }
0x45: {  	_ =	shalt  }
0x46: {  	_ =	shalt  }
0x47: {  	_ =	shalt  }
0x48: {  	_ =	shalt  }
0x49: {  	_ =	shalt  }
0x4a: {  	_ =	shalt  }
0x4b: {  	_ =	shalt  }
0x4c: {  	_ =	shalt  }
0x4d: {  	_ =	shalt  }
0x4e: {  	_ =	shalt  }
0x4f: {  	_ =	shalt  }
0x50: {  	_ =	shalt  }
0x51: {  	_ =	shalt  }
0x52: {  	_ =	shalt  }
0x53: {  	_ =	shalt  }
0x54: {  	_ =	shalt  }
0x55: {  	_ =	shalt  }
0x56: {  	_ =	shalt  }
0x57: {  	_ =	shalt  }
0x58: {  	_ =	shalt  }
0x59: {  	_ =	shalt  }
0x5a: {  	_ =	shalt  }
0x5b: {  	_ =	shalt  }
0x5c: {  	_ =	shalt  }
0x5d: {  	_ =	shalt  }
0x5e: {  	_ =	shalt  }
0x5f: {  	_ =	shalt  }
0x60: {  	_ =	shalt  }
0x61: {  	_ =	shalt  }
0x62: {  	_ =	shalt  }
0x63: {  	_ =	shalt  }
0x64: {  	_ =	shalt  }
0x65: {  	_ =	shalt  }
0x66: {  	_ =	shalt  }
0x67: {  	_ =	shalt  }
0x68: {  	_ =	shalt  }
0x69: {  	_ =	shalt  }
0x6a: {  	_ =	shalt  }
0x6b: {  	_ =	shalt  }
0x6c: {  	_ =	shalt  }
0x6d: {  	_ =	shalt  }
0x6e: {  	_ =	shalt  }
0x6f: {  	_ =	shalt  }
0x70: {  	_ =	shalt  }
0x71: {  	_ =	shalt  }
0x72: {  	_ =	shalt  }
0x73: {  	_ =	shalt  }
0x74: {  	_ =	shalt  }
0x75: {  	_ =	shalt  }
0x76: {  	_ =	shalt  }
0x77: {  	_ =	shalt  }
0x78: {  	_ =	shalt  }
0x79: {  	_ =	shalt  }
0x7a: {  	_ =	shalt  }
0x7b: {  	_ =	shalt  }
0x7c: {  	_ =	shalt  }
0x7d: {  	_ =	shalt  }
0x7e: {  	_ =	shalt  }
0x7f: {  	_ =	shalt  }
0x80: {  	_ =	shalt  }
0x81: {  	_ =	shalt  }
0x82: {  	_ =	shalt  }
0x83: {  	_ =	shalt  }
0x84: {  	_ =	shalt  }
0x85: {  	_ =	shalt  }
0x86: {  	_ =	shalt  }
0x87: {  	_ =	shalt  }
.Lfunc_end0:
.L_simem_size_0:
called_computation.1_lowered:
.L_overlay_start_0:
0x88: {  	s2 =	sld [smem:$0x3FD9]  }
0x89: {  	s3 =	sld [smem:$0x3FFE];
	_ =	sdelay $0x1  }
0x8a: {  	s1 =	srdreg.scid  }
0x8b: {  	s0 =	sand.u32 $0x1, s1  }
0x8c: {  	s17 =	sshll.u32 s0, $0xA;
	s2 =	sadd.s32 s3, s2  }
0x8d: {  	s2 =	sadd.s32 s2, s17  }
0x8e: {  	[smem:$0x3FC3] =	sst s2  }
0x8f: {  	_ = 	snop  }
0x90: {  	s2 =	sld [smem:$0x3FD0];
	(tm) =	ssettm $0x1  }
0x91: {  	s18 =	sld [smem:$0x3FFB];
	_ =	sdelay $0x3  }
0x92: {  	_ =	strace s18  }
0x93: {  	s3 =	sld [smem:$0x3FFC];
	_ =	sdelay $0x3  }
0x94: {  	_ =	strace s3  }
0x95: {  	s3 =	sld [smem:$0x3FFD];
	_ =	sdelay $0x3  }
0x96: {  	_ =	strace s3  }
0x97: {  	_ =	strace $0x8FFFFFFF  }
0x98: {  	s19 =	sld [smem:$0x3FDB];
	_ =	sdelay $0x1  }
0x99: {  	s4 =	simm.s32 $_scs_section_size  }
0x9a: {  	s5 =	simm.s32 $_size__tile_overlayer_lowered;
	s6 =	simm.s32 $_tile_overlayer_lowered  }
0x9b: {  	s22 =	simm.s32 $0x1BFF;
	s21 =	sshll.u32 s6, $0x1;
	s3 =	sadd.s32 s4, s19  }
0x9c: {  	s7 =	simm.s32 $0x0;
	s20 =	sshll.u32 s5, $0x1;
	s5 =	sadd.s32 s21, s3  }
0x9d: {  	[timem:s7], [sflag:s22] =	dma.local [hbm:s5], s20  }
0x9e: {  	_ =	swait.ge [sflag:s22], s20  }
0x9f: {  	s4 =	ssub.s32 $0x0, s20;
	[sflag:s22] =	ssyncset.done $0x0  }
0xa0: {  	[sflag:s22] =	ssyncadd.s32 s4;
	_ =	sdelay $0x1  }
0xa1: {  	s23 =	simm.s32 $0x1B8B  }
0xa2: {  	_ =	swait.ge [sflag:s23], $0x1  }
0xa3: {  	[sflag:s23] =	ssyncset.done $0x0  }
0xa4: {  	s25 =	simm.s32 $0x1B8E;
	s24 =	sld [smem:$0x3FFE];
	[sflag:s23] =	ssyncadd.s32 $0xFFFFFFFF  }
0xa5: {  	s26 =	simm.s32 $execute0_lowered;
	[smem:$0x3FD2] =	sst s25  }
0xa6: {  	s5 =	sshll.u32 s26, $0x1;
	_ =	strace $0x80000046;
	[dreg:$0x1] =	wrdreg $0xFFFFFFFF  }
0xa7: {  	s28 =	simm.s32 $_size_execute0_lowered;
	s3 =	sadd.s32 s3, s5;
	[dreg:$0x0] =	wrdreg $0x0  }
0xa8: {  	s5 =	sshll.u32 s28, $0x1;
	[dreg:$0x2] =	wrdreg s3  }
0xa9: {  	[dreg:$0x3] =	wrdreg s5  }
0xaa: {  	[dreg:$0x4] =	wrdreg $0xC0  }
0xab: {  	_ =	task [dreg:s7], $0x5FFFF  }
0xac: {  	[dreg:$0x1] =	wrdreg $0xFFFFFFFF  }
0xad: {  	[dreg:$0x0] =	wrdreg $0x60  }
0xae: {  	[dreg:$0x2] =	wrdreg s24  }
0xaf: {  	[dreg:$0x3] =	wrdreg s2  }
0xb0: {  	[dreg:$0x4] =	wrdreg $0x9  }
0xb1: {  	_ =	task.clear_ibuf [dreg:s7], $0x5FFFF;
	_ =	strace $0x90000046  }
0xb2: {  	s29 =	simm.s32 $0x9;
	_ =	strace $0x80000048  }
0xb3: {  	_ =	swait.ge [sflag:s29], $0x1  }
0xb4: {  	[sflag:s29] =	ssyncadd.s32 $0xFFFFFFFF  }
0xb5: {  	_ =	strace $0x90000048  }
0xb6: {  	_ =	sfence  }
0xb7: {  	s30 =	sld [smem:$0x0];
	_ =	sdelay $0x2  }
0xb8: {  	s31 =	sshll.u32 s1, $0xD;
	s1 =	sshrl.u32 s1, $0x2  }
0xb9: {  	s3 =	sand.u32 $0x4000, s31;
	s1 =	sadd.s32 s1, s30  }
0xba: {  	s0 =	sor.u32 s3, s0;
	s1 =	sshll.u32 s1, $0x11  }
0xbb: {  	s0 =	sor.u32 s1, s0  }
0xbc: {  	s0 =	sadd.s32 $0x8F2B, s0  }
0xbd: {  	[sflag:s0] =	ssyncadd.remote.s32 $0x1  }
0xbe: {  	_ =	sfence.sel $0xFFFF  }
0xbf: {  	[dreg:$0x0] =	wrdreg $0xFFFFFFFF;
	(pc) =	sbr.abs _section_cstart, $3  }
0xc0: {  	[dreg:$0x1] =	wrdreg $0xFFFFFFFF  }
0xc1: {  	_ =	task.clear_ibuf [dreg:s7], $0x2FFFF;
	_ =	strace $0x9FFFFFFF  }
0xc2: {  	(tm) =	ssettm $0x7FFFFFFF  }
0xc3: {  	_ =	shalt  }
tec
execute0_lowered:
.L_overlay_start_1:
0x0: {  	(tag) =	ssettag $0x1  }
0x1: {  	s0 =	rddreg [dreg:$0x0]  }
0x2: {  	s1 =	rddreg [dreg:$0x1];
	s2 =	simm.s32 $0x0;
	s17 =	srdreg.scid  }
0x3: {  	s3 =	stileid.u32;
	s28 =	simm.s32 $0x8400;
	s29 =	simm.s32 $0xC400  }
0x4: {  	s30 =	simm.s32 $0x200;
	s31 =	simm.s32 $0x280;
	s14 =	simm.s32 $0xA400  }
0x5: {  	s15 =	simm.s32 $0xE400;
	s16 =	simm.s32 $0x1;
	[smem:$0x7FF] =	sst s2  }
0x6: {  	s4 =	sadd.s32 $0x4F800, s0;
	s5 =	sadd.s32 $0x36800, s0;
	s2 =	sand.u32 $0x1, s17  }
0x7: {  	s3 =	sshll.u32 s3, $0x1;
	s6 =	sadd.s32 $0x1D800, s0;
	s7 =	sadd.s32 $0x4800, s0  }
0x8: {  	s8 =	sadd.s32 $0x68800, s0;
	s9 =	sadd.s32 $0x12BE00, s0;
	s3 =	sor.u32 s2, s3  }
0x9: {  	s10 =	sadd.s32 $0x2800, s0;
	s2 =	ssub.s32 $0x2, s2;
	s12 =	smul.u32 $0xC80, s3  }
0xa: {  	s17 =	simm.s32 $0xC0;
	_ =	strace $0x80000047;
	s18 =	sshrl.u32 s2, $0x1  }
0xb: {  	s11 =	smul.u32 $0xC8, s3;
	s3 =	simm.s32 $0x380;
	s19 =	sadd.s32 s4, s12  }
0xc: {  	s0 =	ssub.s32 s2, s18;
	s20 =	sadd.s32 s5, s12;
	[dreg:$0x3] =	wrdreg s19  }
0xd: {  	s18 =	simm.s32 $0x2;
	s21 =	sadd.s32 s6, s12;
	[dreg:$0x4] =	wrdreg s20  }
0xe: {  	s22 =	sor.u32 $0x10, s12;
	s23 =	sadd.s32 s7, s12;
	[dreg:$0x5] =	wrdreg s21  }
0xf: {  	s0 =	smax.u32 s0, $0x1;
	s12 =	simm.s32 $0x2400;
	[dreg:$0x6] =	wrdreg s23  }
0x10: {  	s24 =	sadd.s32 s4, s22;
	s25 =	sadd.s32 s5, s22;
	[dreg:$0xb] =	wrdreg s0  }
0x11: {  	s26 =	sadd.s32 s6, s22;
	s2 =	sadd.s32 s7, s22;
	[dreg:$0x7] =	wrdreg s24  }
0x12: {  	s21 =	simm.s32 $0x80;
	s0 =	simm.s32 $0x300;
	[dreg:$0x8] =	wrdreg s25  }
0x13: {  	s22 =	simm.s32 $0x40;
	s23 =	simm.s32 $0x3;
	[dreg:$0x9] =	wrdreg s26  }
0x14: {  	s19 =	simm.s32 $0x0;
	[dreg:$0xa] =	wrdreg s2;
	s26 =	simm.s32 $0x6  }
.LBB2_1:
0x15: {  	[dreg:$0xc] =	wrdreg s19  }
0x16: {  	s2 =	simm.s32 $0x0;
	s13 =	rddreg [dreg:$0x3]  }
0x17: {  	[tilespmem:s2], [sflag:$0x5] =	stream.linear.gather [hbm4b:s13+s2], $0x80, $0x38;
	[tilespmem:$0x10400] =	vst v63  }
0x18: {  	s19 =	rddreg [dreg:$0x4]  }
0x19: {  	[tilespmem:s21], [sflag:$0x5] =	stream.linear.gather [hbm4b:s19+s2], $0x80, $0x38;
	[tilespmem:$0x10400] =	vst v63  }
0x1a: {  	s20 =	rddreg [dreg:$0x5];
	s19 =	simm.s32 $0x100  }
0x1b: {  	[tilespmem:s19], [sflag:$0x5] =	stream.linear.gather [hbm4b:s20+s2], $0x80, $0x38;
	[tilespmem:$0x10400] =	vst v63  }
0x1c: {  	s24 =	rddreg [dreg:$0x6];
	s25 =	simm.s32 $0x5;
	s20 =	simm.s32 $0x180  }
0x1d: {  	[tilespmem:s20], [sflag:$0x5] =	stream.linear.gather [hbm4b:s24+s2], $0x80, $0x38;
	[tilespmem:$0x10400] =	vst v63  }
0x1e: {  	_ =	swait.ge [sflag:s25], $0x80  }
0x1f: {  	[sflag:s25] =	ssyncset.done $0x0  }
0x20: {  	[sflag:s25] =	ssyncadd.s32 $0xFFFFFF80  }
0x21: {  	_ =	swait.ge [sflag:s25], $0x80  }
0x22: {  	[sflag:s25] =	ssyncset.done $0x0  }
0x23: {  	[sflag:s25] =	ssyncadd.s32 $0xFFFFFF80  }
0x24: {  	_ =	swait.ge [sflag:s25], $0x80  }
0x25: {  	[sflag:s25] =	ssyncset.done $0x0  }
0x26: {  	[sflag:s25] =	ssyncadd.s32 $0xFFFFFF80  }
0x27: {  	_ =	swait.ge [sflag:s25], $0x80  }
0x28: {  	[sflag:s25] =	ssyncset.done $0x0  }
0x29: {  	s24 =	simm.s32 $0x400;
	[sflag:s25] =	ssyncadd.s32 $0xFFFFFF80  }
0x2a: {  	[tilespmem:s24], [sflag:$0x1] =	stream.indirect.gather [hbm4b:s8+s21], $0x40, s2, s21, $0xb8;
	[tilespmem:$0x10400] =	vst v63  }
0x2b: {  	s25 =	simm.s32 $0x4400  }
0x2c: {  	[tilespmem:s25], [sflag:$0x1] =	stream.indirect.gather [hbm4b:s9+s21], $0x40, s21, s21, $0xb8;
	[tilespmem:$0x10400] =	vst v63  }
0x2d: {  	_ = 	snop  }
0x2e: {  	[tilespmem:s28], [sflag:$0x1] =	stream.indirect.gather [hbm4b:s10+s21], $0x40, s19, s21, $0xb8;
	[tilespmem:$0x10400] =	vst v63  }
0x2f: {  	_ = 	snop  }
0x30: {  	[tilespmem:s29], [sflag:$0x1] =	stream.indirect.gather [hbm4b:s8+s21], $0x40, s20, s21, $0xb8;
	[tilespmem:$0x10400] =	vst v63  }
0x31: {  	s19 =	rddreg [dreg:$0x7]  }
0x32: {  	[tilespmem:s30], [sflag:$0x6] =	stream.linear.gather [hbm4b:s19+s2], $0x80, $0x38;
	[tilespmem:$0x10400] =	vst v63  }
0x33: {  	s20 =	rddreg [dreg:$0x8]  }
0x34: {  	[tilespmem:s31], [sflag:$0x6] =	stream.linear.gather [hbm4b:s20+s2], $0x80, $0x38;
	[tilespmem:$0x10400] =	vst v63  }
0x35: {  	s24 =	rddreg [dreg:$0x9]  }
0x36: {  	[tilespmem:s0], [sflag:$0x6] =	stream.linear.gather [hbm4b:s24+s2], $0x80, $0x38;
	[tilespmem:$0x10400] =	vst v63  }
0x37: {  	s25 =	rddreg [dreg:$0xa]  }
0x38: {  	[tilespmem:s3], [sflag:$0x6] =	stream.linear.gather [hbm4b:s25+s2], $0x80, $0x38;
	[tilespmem:$0x10400] =	vst v63  }
0x39: {  	s2 =	simm.s32 $0x0  }
.LBB2_2:
0x3a: {  	p0 =	seq.s32 s2, $0x0  }
0x3b: {  	s13 =	simm.s32 @!p0 $0x4  }
0x3c: {  	_ =	swait.ge @!p0 [sflag:s13], $0x2000  }
0x3d: {  	[sflag:s13] =	ssyncset.done @!p0 $0x0  }
0x3e: {  	[sflag:s13] =	ssyncadd.s32 @!p0 $0xFFFFE000  }
0x3f: {  	_ =	swait.ge @!p0 [sflag:s13], $0x2000  }
0x40: {  	[sflag:s13] =	ssyncset.done @!p0 $0x0  }
0x41: {  	[sflag:s13] =	ssyncadd.s32 @!p0 $0xFFFFE000  }
0x42: {  	_ =	swait.ge @!p0 [sflag:s13], $0x2000  }
0x43: {  	[sflag:s13] =	ssyncset.done @!p0 $0x0  }
0x44: {  	[sflag:s13] =	ssyncadd.s32 @!p0 $0xFFFFE000  }
0x45: {  	_ =	swait.ge [sflag:s26], $0x80  }
0x46: {  	[sflag:s26] =	ssyncset.done $0x0  }
0x47: {  	[sflag:s26] =	ssyncadd.s32 $0xFFFFFF80  }
0x48: {  	_ =	swait.ge [sflag:s26], $0x80  }
0x49: {  	[sflag:s26] =	ssyncset.done $0x0  }
0x4a: {  	[sflag:s26] =	ssyncadd.s32 $0xFFFFFF80  }
0x4b: {  	_ =	swait.ge [sflag:s26], $0x80  }
0x4c: {  	[sflag:s26] =	ssyncset.done $0x0  }
0x4d: {  	[sflag:s26] =	ssyncadd.s32 $0xFFFFFF80  }
0x4e: {  	_ =	swait.ge [sflag:s26], $0x80  }
0x4f: {  	[sflag:s26] =	ssyncset.done $0x0  }
0x50: {  	[sflag:s26] =	ssyncadd.s32 $0xFFFFFF80  }
0x51: {  	[tilespmem:s12], [sflag:$0x2] =	stream.indirect.gather [hbm4b:s8+s21], $0x40, s30, s21, $0xb8;
	[tilespmem:$0x10400] =	vst v63  }
0x52: {  	s25 =	simm.s32 $0x6400  }
0x53: {  	[tilespmem:s25], [sflag:$0x2] =	stream.indirect.gather [hbm4b:s9+s21], $0x40, s31, s21, $0xb8;
	[tilespmem:$0x10400] =	vst v63  }
0x54: {  	_ = 	snop  }
0x55: {  	[tilespmem:s14], [sflag:$0x2] =	stream.indirect.gather [hbm4b:s10+s21], $0x40, s0, s21, $0xb8;
	[tilespmem:$0x10400] =	vst v63  }
0x56: {  	_ = 	snop  }
0x57: {  	[tilespmem:s15], [sflag:$0x2] =	stream.indirect.gather [hbm4b:s8+s21], $0x40, s3, s21, $0xb8;
	[tilespmem:$0x10400] =	vst v63  }
0x58: {  	_ =	swait.ge [sflag:s16], $0x2000  }
0x59: {  	[sflag:s16] =	ssyncset.done $0x0  }
0x5a: {  	[sflag:s16] =	ssyncadd.s32 $0xFFFFE000  }
0x5b: {  	_ =	swait.ge [sflag:s16], $0x2000  }
0x5c: {  	[sflag:s16] =	ssyncset.done $0x0  }
0x5d: {  	[sflag:s16] =	ssyncadd.s32 $0xFFFFE000  }
0x5e: {  	_ =	swait.ge [sflag:s16], $0x2000  }
0x5f: {  	s24 =	sshll.u32 s2, $0x1;
	p0 =	seq.s32 s2, $0x63;
	[sflag:s16] =	ssyncset.done $0x0  }
0x60: {  	s13 =	sadd.s32 @!p0 s11, s24;
	[sflag:s16] =	ssyncadd.s32 $0xFFFFE000  }
0x61: {  	s13 =	sshll.u32 @!p0 s13, $0x4;
	_ =	swait.ge [sflag:s16], $0x2000  }
0x62: {  	s13 =	sadd.s32 @!p0 $0x20, s13;
	[sflag:s16] =	ssyncset.done $0x0  }
0x63: {  	s20 =	simm.s32 @!p0 $0x0;
	s19 =	sadd.s32 @!p0 s4, s13;
	[sflag:s16] =	ssyncadd.s32 $0xFFFFE000  }
0x64: {  	[tilespmem:s20], [sflag:$0x5] =	stream.linear.gather @!p0 [hbm4b:s19+s20], $0x80, $0x38;
	[tilespmem:$0x10400] =	vst v63  }
0x65: {  	s25 =	simm.s32 @!p0 $0x80;
	s19 =	sadd.s32 @!p0 s5, s13  }
0x66: {  	[tilespmem:s25], [sflag:$0x5] =	stream.linear.gather @!p0 [hbm4b:s19+s20], $0x80, $0x38;
	[tilespmem:$0x10400] =	vst v63  }
0x67: {  	s19 =	sadd.s32 @!p0 s6, s13;
	s25 =	simm.s32 @!p0 $0x100  }
0x68: {  	[tilespmem:s25], [sflag:$0x5] =	stream.linear.gather @!p0 [hbm4b:s19+s20], $0x80, $0x38;
	[tilespmem:$0x10400] =	vst v63  }
0x69: {  	s13 =	sadd.s32 @!p0 s7, s13;
	s19 =	simm.s32 @!p0 $0x180  }
0x6a: {  	[tilespmem:s19], [sflag:$0x5] =	stream.linear.gather @!p0 [hbm4b:s13+s20], $0x80, $0x38;
	[tilespmem:$0x10400] =	vst v63  }
0x6b: {  	s20 =	simm.s32 $0x0  }
0x6c: {  	v5 =	vld [tilespmem:s20+$0x4400]  }
0x6d: {  	v6 =	vld [tilespmem:s20+$0x4410]  }
0x6e: {  	v1 =	vld [tilespmem:s20+$0x4420]  }
0x6f: {  	v0 =	vld [tilespmem:s20+$0x4430]  }
0x70: {  	v4 =	vld [tilespmem:s20+$0x400]  }
0x71: {  	v3 =	vld [tilespmem:s20+$0x410]  }
0x72: {  	s19 =	sor.u32 $0x1, s24;
	s13 =	simm.s32 $0x100;
	v2 =	vld [tilespmem:s20+$0x420]  }
.LBB2_3:
0x73: {  	s25 =	sshra.s32 s13, $0x2;
	p1 =	sne.s32 s13, $0x7F00;
	v7 =	vld [tilespmem:s20+$0x430];
	v8 =	vmov v1  }
0x74: {  	v9 =	vld [tilespmem:s25+$0x4400];
	v10 =	vmov v0  }
0x75: {  	v11 =	vld [tilespmem:s25+$0x4410];
	v4 =	vadd.f32 v5, v4  }
.Ltmp0:
0x76: {  	v1 =	vld [tilespmem:s25+$0x4420];
	v3 =	vadd.f32 v6, v3;
	(pc) =	sbr.rel @p1 .LBB2_3-.Ltmp0, $4  }
0x77: {  	v0 =	vld [tilespmem:s25+$0x4430];
	[tilespmem:s20+$0x400] =	vst v4;
	v2 =	vadd.f32 v8, v2  }
0x78: {  	v4 =	vld [tilespmem:s25+$0x400];
	[tilespmem:s20+$0x410] =	vst v3;
	v7 =	vadd.f32 v10, v7  }
0x79: {  	v3 =	vld [tilespmem:s25+$0x410];
	[tilespmem:s20+$0x420] =	vst v2;
	v5 =	vmov v9  }
0x7a: {  	s13 =	sadd.s32 $0x100, s13;
	v2 =	vld [tilespmem:s25+$0x420];
	[tilespmem:s20+$0x430] =	vst v7;
	v6 =	vmov v11;
	s20 =	smov.u32 s25  }
0x7b: {  	v7 =	vld [tilespmem:s20+$0x430];
	s13 =	sadd.s32 s11, s24  }
0x7c: {  	s24 =	sshrl.u32 s13, $0x5;
	s13 =	sshll.u32 s13, $0x7  }
0x7d: {  	v4 =	vadd.f32 v5, v4;
	s24 =	smul.u32 $0xC0000, s24;
	s13 =	sand.u32 $0xF00, s13  }
0x7e: {  	v3 =	vadd.f32 v6, v3;
	s13 =	smul.u32 $0xC0, s13  }
0x7f: {  	[tilespmem:s20+$0x400] =	vst v4;
	v1 =	vadd.f32 v1, v2  }
0x80: {  	[tilespmem:s20+$0x410] =	vst v3;
	v0 =	vadd.f32 v0, v7;
	s13 =	sadd.s32 s24, s13  }
0x81: {  	[tilespmem:s20+$0x420] =	vst v1;
	s13 =	sshrl.u32 s13, $0x3  }
0x82: {  	s24 =	simm.s32 $0x400;
	[tilespmem:s20+$0x430] =	vst v0;
	s13 =	sadd.s32 s1, s13  }
0x83: {  	[hbm4b:s13+s22] =	stream.strided.scatter [tilespmem:s24], [sflag:$0x3], $0x2000, s17, s22, $0x38;
	[tilespmem:$0x10400] =	vst v63  }
0x84: {  	s25 =	sadd.s32 $0x8, s13  }
0x85: {  	[hbm4b:s25+s22] =	stream.strided.scatter [tilespmem:s28], [sflag:$0x3], $0x2000, s17, s22, $0x38;
	[tilespmem:$0x10400] =	vst v63  }
0x86: {  	s13 =	sadd.s32 $0x10, s13  }
0x87: {  	[hbm4b:s13+s22] =	stream.strided.scatter [tilespmem:s29], [sflag:$0x3], $0x2000, s17, s22, $0x38;
	[tilespmem:$0x10400] =	vst v63  }
0x88: {  	_ =	swait.ge [sflag:s23], $0x2000  }
0x89: {  	[sflag:s23] =	ssyncset.done $0x0  }
0x8a: {  	[sflag:s23] =	ssyncadd.s32 $0xFFFFE000  }
0x8b: {  	_ =	swait.ge [sflag:s23], $0x2000  }
0x8c: {  	[sflag:s23] =	ssyncset.done $0x0  }
0x8d: {  	[sflag:s23] =	ssyncadd.s32 $0xFFFFE000  }
0x8e: {  	_ =	swait.ge [sflag:s23], $0x2000  }
0x8f: {  	[sflag:s23] =	ssyncset.done $0x0  }
0x90: {  	s13 =	simm.s32 @!p0 $0x5;
	[sflag:s23] =	ssyncadd.s32 $0xFFFFE000  }
0x91: {  	_ =	swait.ge @!p0 [sflag:s13], $0x80  }
0x92: {  	[sflag:s13] =	ssyncset.done @!p0 $0x0  }
0x93: {  	[sflag:s13] =	ssyncadd.s32 @!p0 $0xFFFFFF80  }
0x94: {  	_ =	swait.ge @!p0 [sflag:s13], $0x80  }
0x95: {  	[sflag:s13] =	ssyncset.done @!p0 $0x0  }
0x96: {  	[sflag:s13] =	ssyncadd.s32 @!p0 $0xFFFFFF80  }
0x97: {  	_ =	swait.ge @!p0 [sflag:s13], $0x80  }
0x98: {  	[sflag:s13] =	ssyncset.done @!p0 $0x0  }
0x99: {  	[sflag:s13] =	ssyncadd.s32 @!p0 $0xFFFFFF80  }
0x9a: {  	_ =	swait.ge @!p0 [sflag:s13], $0x80  }
0x9b: {  	s20 =	simm.s32 @!p0 $0x0;
	[sflag:s13] =	ssyncset.done @!p0 $0x0  }
0x9c: {  	s24 =	simm.s32 @!p0 $0x400;
	[sflag:s13] =	ssyncadd.s32 @!p0 $0xFFFFFF80;
	s13 =	simm.s32 @!p0 $0x80  }
0x9d: {  	[tilespmem:s24], [sflag:$0x1] =	stream.indirect.gather @!p0 [hbm4b:s8+s13], $0x40, s20, s13, $0xb8;
	[tilespmem:$0x10400] =	vst v63  }
0x9e: {  	s24 =	simm.s32 @!p0 $0x4400  }
0x9f: {  	[tilespmem:s24], [sflag:$0x1] =	stream.indirect.gather @!p0 [hbm4b:s9+s13], $0x40, s13, s13, $0xb8;
	[tilespmem:$0x10400] =	vst v63  }
0xa0: {  	s25 =	simm.s32 @!p0 $0x8400;
	s24 =	simm.s32 @!p0 $0x100  }
0xa1: {  	[tilespmem:s25], [sflag:$0x1] =	stream.indirect.gather @!p0 [hbm4b:s10+s13], $0x40, s24, s13, $0xb8;
	[tilespmem:$0x10400] =	vst v63  }
0xa2: {  	s24 =	simm.s32 @!p0 $0x180;
	s25 =	simm.s32 @!p0 $0xC400  }
0xa3: {  	[tilespmem:s25], [sflag:$0x1] =	stream.indirect.gather @!p0 [hbm4b:s8+s13], $0x40, s24, s13, $0xb8;
	[tilespmem:$0x10400] =	vst v63  }
0xa4: {  	_ =	swait.ge [sflag:s18], $0x2000  }
0xa5: {  	[sflag:s18] =	ssyncset.done $0x0  }
0xa6: {  	[sflag:s18] =	ssyncadd.s32 $0xFFFFE000  }
0xa7: {  	_ =	swait.ge [sflag:s18], $0x2000  }
0xa8: {  	[sflag:s18] =	ssyncset.done $0x0  }
0xa9: {  	[sflag:s18] =	ssyncadd.s32 $0xFFFFE000  }
0xaa: {  	_ =	swait.ge [sflag:s18], $0x2000  }
0xab: {  	[sflag:s18] =	ssyncset.done $0x0  }
0xac: {  	s13 =	sadd.s32 @!p0 s11, s19;
	[sflag:s18] =	ssyncadd.s32 $0xFFFFE000  }
0xad: {  	s13 =	sshll.u32 @!p0 s13, $0x4;
	_ =	swait.ge [sflag:s18], $0x2000  }
0xae: {  	s13 =	sadd.s32 @!p0 $0x20, s13;
	[sflag:s18] =	ssyncset.done $0x0  }
0xaf: {  	s25 =	simm.s32 @!p0 $0x200;
	s24 =	sadd.s32 @!p0 s4, s13;
	[sflag:s18] =	ssyncadd.s32 $0xFFFFE000  }
0xb0: {  	[tilespmem:s25], [sflag:$0x6] =	stream.linear.gather @!p0 [hbm4b:s24+s20], $0x80, $0x38;
	[tilespmem:$0x10400] =	vst v63  }
0xb1: {  	s24 =	sadd.s32 @!p0 s5, s13;
	s25 =	simm.s32 @!p0 $0x280  }
0xb2: {  	[tilespmem:s25], [sflag:$0x6] =	stream.linear.gather @!p0 [hbm4b:s24+s20], $0x80, $0x38;
	[tilespmem:$0x10400] =	vst v63  }
0xb3: {  	s24 =	sadd.s32 @!p0 s6, s13;
	s25 =	simm.s32 @!p0 $0x300  }
0xb4: {  	[tilespmem:s25], [sflag:$0x6] =	stream.linear.gather @!p0 [hbm4b:s24+s20], $0x80, $0x38;
	[tilespmem:$0x10400] =	vst v63  }
0xb5: {  	s13 =	sadd.s32 @!p0 s7, s13;
	s24 =	simm.s32 @!p0 $0x380  }
0xb6: {  	[tilespmem:s24], [sflag:$0x6] =	stream.linear.gather @!p0 [hbm4b:s13+s20], $0x80, $0x38;
	[tilespmem:$0x10400] =	vst v63  }
0xb7: {  	s20 =	simm.s32 $0x0  }
0xb8: {  	v5 =	vld [tilespmem:s20+$0x6400]  }
0xb9: {  	v6 =	vld [tilespmem:s20+$0x6410]  }
0xba: {  	v1 =	vld [tilespmem:s20+$0x6420]  }
0xbb: {  	v0 =	vld [tilespmem:s20+$0x6430]  }
0xbc: {  	v4 =	vld [tilespmem:s20+$0x2400]  }
0xbd: {  	v3 =	vld [tilespmem:s20+$0x2410]  }
0xbe: {  	s13 =	simm.s32 $0x100;
	v2 =	vld [tilespmem:s20+$0x2420]  }
.LBB2_5:
0xbf: {  	s24 =	sshra.s32 s13, $0x2;
	p0 =	sne.s32 s13, $0x7F00;
	v7 =	vld [tilespmem:s20+$0x2430];
	v8 =	vmov v1  }
0xc0: {  	v9 =	vld [tilespmem:s24+$0x6400];
	v10 =	vmov v0  }
0xc1: {  	v11 =	vld [tilespmem:s24+$0x6410];
	v4 =	vadd.f32 v5, v4  }
.Ltmp1:
0xc2: {  	v1 =	vld [tilespmem:s24+$0x6420];
	v3 =	vadd.f32 v6, v3;
	(pc) =	sbr.rel @p0 .LBB2_5-.Ltmp1, $4  }
0xc3: {  	v0 =	vld [tilespmem:s24+$0x6430];
	[tilespmem:s20+$0x2400] =	vst v4;
	v2 =	vadd.f32 v8, v2  }
0xc4: {  	v4 =	vld [tilespmem:s24+$0x2400];
	[tilespmem:s20+$0x2410] =	vst v3;
	v7 =	vadd.f32 v10, v7  }
0xc5: {  	v3 =	vld [tilespmem:s24+$0x2410];
	[tilespmem:s20+$0x2420] =	vst v2;
	v5 =	vmov v9  }
0xc6: {  	s13 =	sadd.s32 $0x100, s13;
	v2 =	vld [tilespmem:s24+$0x2420];
	[tilespmem:s20+$0x2430] =	vst v7;
	v6 =	vmov v11;
	s20 =	smov.u32 s24  }
0xc7: {  	v7 =	vld [tilespmem:s20+$0x2430];
	s13 =	sadd.s32 s11, s19  }
0xc8: {  	s19 =	sshrl.u32 s13, $0x5;
	s13 =	sshll.u32 s13, $0x7  }
0xc9: {  	v4 =	vadd.f32 v5, v4;
	s19 =	smul.u32 $0xC0000, s19;
	s13 =	sand.u32 $0xF80, s13  }
0xca: {  	v3 =	vadd.f32 v6, v3;
	s13 =	smul.u32 $0xC0, s13  }
0xcb: {  	[tilespmem:s20+$0x2400] =	vst v4;
	v1 =	vadd.f32 v1, v2  }
0xcc: {  	s13 =	sadd.s32 s19, s13;
	[tilespmem:s20+$0x2410] =	vst v3;
	v0 =	vadd.f32 v0, v7  }
0xcd: {  	s2 =	sadd.s32 $0x1, s2;
	[tilespmem:s20+$0x2420] =	vst v1;
	s13 =	sshrl.u32 s13, $0x3  }
0xce: {  	p0 =	sne.s32 s2, $0x64;
	[tilespmem:s20+$0x2430] =	vst v0;
	s13 =	sadd.s32 s1, s13  }
0xcf: {  	[hbm4b:s13+s22] =	stream.strided.scatter [tilespmem:s12], [sflag:$0x4], $0x2000, s17, s22, $0x38;
	[tilespmem:$0x10400] =	vst v63  }
.Ltmp2:
0xd0: {  	_ = 	snop;
	(pc) =	sbr.rel @p0 .LBB2_2-.Ltmp2, $4  }
0xd1: {  	s25 =	sadd.s32 $0x8, s13  }
0xd2: {  	[hbm4b:s25+s22] =	stream.strided.scatter [tilespmem:s14], [sflag:$0x4], $0x2000, s17, s22, $0x38;
	[tilespmem:$0x10400] =	vst v63  }
0xd3: {  	s13 =	sadd.s32 $0x10, s13  }
0xd4: {  	[hbm4b:s13+s22] =	stream.strided.scatter [tilespmem:s15], [sflag:$0x4], $0x2000, s17, s22, $0x38;
	[tilespmem:$0x10400] =	vst v63  }
0xd5: {  	s13 =	simm.s32 $0x4  }
0xd6: {  	_ =	swait.ge [sflag:s13], $0x2000  }
0xd7: {  	[sflag:s13] =	ssyncset.done $0x0  }
0xd8: {  	[sflag:s13] =	ssyncadd.s32 $0xFFFFE000  }
0xd9: {  	_ =	swait.ge [sflag:s13], $0x2000  }
0xda: {  	[sflag:s13] =	ssyncset.done $0x0  }
0xdb: {  	[sflag:s13] =	ssyncadd.s32 $0xFFFFE000  }
0xdc: {  	_ =	swait.ge [sflag:s13], $0x2000  }
0xdd: {  	s19 =	rddreg [dreg:$0xc]  }
0xde: {  	s2 =	rddreg [dreg:$0xb];
	s19 =	sadd.s32 $0x1, s19  }
0xdf: {  	p0 =	sne.s32 s19, s2  }
.Ltmp3:
0xe0: {  	_ = 	snop;
	(pc) =	sbr.rel @p0 .LBB2_1-.Ltmp3, $3  }
0xe1: {  	_ =	sdelay $0x1  }
0xe2: {  	[sflag:s13] =	ssyncset.done $0x0  }
0xe3: {  	[sflag:s13] =	ssyncadd.s32 $0xFFFFE000  }
0xe4: {  	_ =	sfence.sel $0x180000  }
0xe5: {  	[bflag:$0x0] =	sbarrier.arrive $0xFFFF  }
0xe6: {  	_ =	strace $0x90000047  }
0xe7: {  	s0 =	stileid.u32;
	[bflag:$0x2] =	sbarrier.arrive $0xFFFF  }
0xe8: {  	p0 =	sne.s32 s0, $0x0;
	s0 =	rddreg [dreg:$0x2]  }
0xe9: {  	s0 =	sadd.s32 @!p0 $0x100000, s0  }
0xea: {  	[sflag:s0] =	ssyncadd.tile.s32 @!p0 $0x1;
	_ =	shalt  }
.Lfunc_end2:
_tile_overlayer_lowered:
.L_overlay_start_2:
0xeb: {  	(tag) =	ssettag $0x2  }
0xec: {  	s0 =	rddreg [dreg:$0x0];
	s2 =	stileid.u32  }
0xed: {  	s1 =	rddreg [dreg:$0x1];
	p0 =	sne.s32 s2, $0x0  }
0xee: {  	s3 =	rddreg [dreg:$0x2];
	[bflag:$0x3] =	sbarrier.arrive $0xFFFF;
	s2 =	simm.s32 @!p0 $0x1C07  }
0xef: {  	[timem:s3], [sflag:s2] =	dma.local @!p0 [hbm:s0], s1  }
0xf0: {  	s0 =	simm.s32 @!p0 $0x7  }
0xf1: {  	_ =	swait.ge @!p0 [sflag:s0], s1  }
0xf2: {  	s1 =	ssub.s32 @!p0 $0x0, s1;
	[sflag:s0] =	ssyncset.done @!p0 $0x0  }
0xf3: {  	[sflag:s0] =	ssyncadd.s32 @!p0 s1  }
0xf4: {  	[bflag:$0x3] =	sbarrier.arrive $0xFFFF  }
0xf5: {  	_ =	shalt  }

// kernel: sparse-core-data-format-call.cloned.1.call-start
scs
called_computation_lowered:
.L_overlay_start_0:
0x0: {  	s2 =	sld [smem:$0x3FD9]  }
0x1: {  	s3 =	sld [smem:$0x3FFE];
	_ =	sdelay $0x1  }
0x2: {  	s1 =	srdreg.scid  }
0x3: {  	s0 =	sand.u32 $0x1, s1  }
0x4: {  	s18 =	sshll.u32 s0, $0xA;
	s2 =	sadd.s32 s3, s2  }
0x5: {  	s2 =	sadd.s32 s2, s18  }
0x6: {  	[smem:$0x3FC3] =	sst s2  }
0x7: {  	_ = 	snop  }
0x8: {  	s2 =	sld [smem:$0x3FD0];
	(tm) =	ssettm $0x1  }
0x9: {  	s19 =	sld [smem:$0x3FFB];
	_ =	sdelay $0x3  }
0xa: {  	_ =	strace s19  }
0xb: {  	s3 =	sld [smem:$0x3FFC];
	_ =	sdelay $0x3  }
0xc: {  	_ =	strace s3  }
0xd: {  	s3 =	sld [smem:$0x3FFD];
	_ =	sdelay $0x3  }
0xe: {  	_ =	strace s3  }
0xf: {  	_ =	strace $0x8FFFFFFF  }
0x10: {  	s20 =	sld [smem:$0x3FDB];
	_ =	sdelay $0x1  }
0x11: {  	s4 =	simm.s32 $_scs_section_size  }
0x12: {  	s5 =	simm.s32 $_size__tile_overlayer_lowered;
	s6 =	simm.s32 $_tile_overlayer_lowered  }
0x13: {  	s23 =	simm.s32 $0x1BFF;
	s22 =	sshll.u32 s6, $0x1;
	s3 =	sadd.s32 s4, s20  }
0x14: {  	s7 =	simm.s32 $0x0;
	s21 =	sshll.u32 s5, $0x1;
	s5 =	sadd.s32 s22, s3  }
0x15: {  	[timem:s7], [sflag:s23] =	dma.local [hbm:s5], s21  }
0x16: {  	_ =	swait.ge [sflag:s23], s21  }
0x17: {  	s4 =	ssub.s32 $0x0, s21;
	[sflag:s23] =	ssyncset.done $0x0  }
0x18: {  	[sflag:s23] =	ssyncadd.s32 s4;
	_ =	sdelay $0x1  }
0x19: {  	s24 =	simm.s32 $0x1B8B  }
0x1a: {  	_ =	swait.ge [sflag:s24], $0x1  }
0x1b: {  	[sflag:s24] =	ssyncset.done $0x0  }
0x1c: {  	s26 =	simm.s32 $0x1B8E;
	s25 =	sld [smem:$0x3FFE];
	[sflag:s24] =	ssyncadd.s32 $0xFFFFFFFF  }
0x1d: {  	s27 =	simm.s32 $execute0_lowered;
	[smem:$0x3FD2] =	sst s26  }
0x1e: {  	s5 =	sshll.u32 s27, $0x1;
	_ =	strace $0x80000049;
	[dreg:$0x1] =	wrdreg $0xFFFFFFFF  }
0x1f: {  	s28 =	simm.s32 $_size_execute0_lowered;
	s3 =	sadd.s32 s3, s5;
	[dreg:$0x0] =	wrdreg $0x0  }
0x20: {  	s5 =	sshll.u32 s28, $0x1;
	[dreg:$0x2] =	wrdreg s3  }
0x21: {  	[dreg:$0x3] =	wrdreg s5  }
0x22: {  	[dreg:$0x4] =	wrdreg $0xC0  }
0x23: {  	_ =	task [dreg:s7], $0x5FFFF  }
0x24: {  	[dreg:$0x1] =	wrdreg $0xFFFFFFFF  }
0x25: {  	[dreg:$0x0] =	wrdreg $0x60  }
0x26: {  	[dreg:$0x2] =	wrdreg s25  }
0x27: {  	[dreg:$0x3] =	wrdreg s2  }
0x28: {  	[dreg:$0x4] =	wrdreg $0x9  }
0x29: {  	_ =	task.clear_ibuf [dreg:s7], $0x5FFFF;
	_ =	strace $0x90000049  }
0x2a: {  	s29 =	simm.s32 $0x9;
	_ =	strace $0x8000004B  }
0x2b: {  	_ =	swait.ge [sflag:s29], $0x1  }
0x2c: {  	[sflag:s29] =	ssyncadd.s32 $0xFFFFFFFF  }
0x2d: {  	_ =	strace $0x9000004B  }
0x2e: {  	_ =	sfence  }
0x2f: {  	s30 =	sld [smem:$0x0];
	_ =	sdelay $0x2  }
0x30: {  	s31 =	sshll.u32 s1, $0xD;
	s1 =	sshrl.u32 s1, $0x2  }
0x31: {  	s3 =	sand.u32 $0x4000, s31;
	s1 =	sadd.s32 s1, s30  }
0x32: {  	s0 =	sor.u32 s3, s0;
	s1 =	sshll.u32 s1, $0x11  }
0x33: {  	s0 =	sor.u32 s1, s0  }
0x34: {  	s0 =	sadd.s32 $0x8F2B, s0  }
0x35: {  	[sflag:s0] =	ssyncadd.remote.s32 $0x1  }
0x36: {  	_ =	sfence.sel $0xFFFF  }
0x37: {  	[dreg:$0x0] =	wrdreg $0xFFFFFFFF;
	(pc) =	sbr.abs _section_cstart, $3  }
0x38: {  	[dreg:$0x1] =	wrdreg $0xFFFFFFFF  }
0x39: {  	_ =	task.clear_ibuf [dreg:s7], $0x2FFFF;
	_ =	strace $0x9FFFFFFF  }
0x3a: {  	(tm) =	ssettm $0x7FFFFFFF  }
0x3b: {  	_ =	shalt  }
tec
execute0_lowered:
.L_overlay_start_1:
0x0: {  	(tag) =	ssettag $0x1  }
0x1: {  	s0 =	srdreg.scid;
	s6 =	rddreg [dreg:$0x0]  }
0x2: {  	s3 =	rddreg [dreg:$0x1];
	s1 =	sshll.u32 s0, $0x4  }
0x3: {  	s5 =	simm.s32 $0x1;
	s0 =	stileid.u32;
	s1 =	sand.u32 $0x10, s1  }
0x4: {  	s31 =	simm.s32 $0x2;
	s16 =	simm.s32 $0x0;
	s1 =	sor.u32 s0, s1  }
0x5: {  	s8 =	simm.s32 $0x8000;
	s17 =	simm.s32 $0x0;
	s2 =	sshll.u32 s1, $0x7  }
0x6: {  	s18 =	simm.s32 $0x0;
	s9 =	simm.s32 $0x0;
	s4 =	ssub.s32 $0x1000, s2  }
0x7: {  	s10 =	simm.s32 $0x0;
	s11 =	simm.s32 $0x0;
	s30 =	sand.u32 $0xF80, s4  }
0x8: {  	s12 =	simm.s32 $0x0;
	s14 =	simm.s32 $0x0;
	p0 =	sne.s32 s30, $0x0  }
.Ltmp0:
0x9: {  	s7 =	sshrl.u32 s4, $0xC;
	s5 =	simm.s32 @!p0 $0x0;
	(pc) =	sbr.rel .LBB1_1-.Ltmp0, $4  }
0xa: {  	s15 =	simm.s32 $0x0;
	s1 =	rddreg [dreg:$0x2];
	s5 =	sadd.s32 s5, s7  }
0xb: {  	_ =	strace $0x8000004A;
	s4 =	simm.s32 $0x1;
	s5 =	smul.u32 $0x190, s5  }
0xc: {  	s6 =	sadd.s32 $0x2800, s6;
	s13 =	smov.u32 s2;
	[sflag:s4] =	ssyncpa.u1 $0x0  }
0xd: {  	[sflag:s31] =	ssyncpa.u1 $0x0;
	p0 =	por $0x0, $0x0;
	s7 =	sor.u32 $0x1, s5  }
.LBB1_4:
0xe: {  	s23 =	sshra.s32 s23, $0x2;
	s30 =	sshll.u32 s9, $0xC  }
0xf: {  	p1 =	sgt.s32 s11, $0xC7;
	s24 =	smov.u32 s11;
	s25 =	sshra.s32 s11, $0x1F  }
0x10: {  	s26 =	sshll.u32 s10, $0x3;
	s28 =	smov.u32 s10;
	s29 =	sshra.s32 s10, $0x1F  }
0x11: {  	s22 =	sadd.s32 s23, s22;
	s24 =	simm.s32 @!p1 $0xC7;
	s25 =	sand.u32 s25, s11  }
0x12: {  	s23 =	sand.u32 $0xFFFF8000, s30;
	s27 =	sand.u32 $0xFFFFFC00, s26;
	p1 =	sgt.s32 s9, $0x40  }
0x13: {  	s31 =	sand.u32 s29, s10;
	s29 =	sshll.u32 s9, $0x7;
	s30 =	sshra.s32 s9, $0x1F  }
0x14: {  	[tilespmem:s21+$0x2040 ss:$0x81] =	vst.msk $0xffff, v4;
	s24 =	ssub.s32 s24, s25;
	s23 =	sadd.s32 s27, s23;
	s27 =	smov.u32 s9  }
0x15: {  	[tilespmem:s21+$0x2850 ss:$0x81] =	vst.msk $0xffff, v3;
	s29 =	sand.u32 $0x380, s29;
	s25 =	sadd.s32 $0xFFFFFF39, s24;
	s27 =	simm.s32 @!p1 $0x40  }
0x16: {  	v5 =	vld [tilespmem:s20+$0xFFFFFFD0];
	[tilespmem:s21+$0x3060 ss:$0x81] =	vst.msk $0xffff, v2;
	p1 =	sgt.s32 s10, $0xF80;
	s23 =	sshrl.u32 s23, $0xC;
	s24 =	ssub.s32 $0xC8, s24  }
0x17: {  	v58 =	vld [tilespmem:s20+$0xFFFFFFE0];
	[tilespmem:s21+$0x0 ss:$0x81] =	vst.msk $0xffff, v1;
	s28 =	simm.s32 @!p1 $0xF80;
	p1 =	sgt.s32 s25, $0x0;
	s21 =	smulhi.u32 $0x1555556, s23  }
0x18: {  	v59 =	vld [tilespmem:s20+$0xFFFFFFF0];
	s25 =	ssub.s32 s28, s31;
	s28 =	sand.u32 s30, s9;
	s24 =	simm.s32 @p1 $0x0  }
0x19: {  	v60 =	vld [tilespmem:s20+$0x0];
	s27 =	ssub.s32 s27, s28;
	s31 =	sadd.s32 $0xFFFFF080, s25;
	s25 =	ssub.s32 $0x1000, s25  }
0x1a: {  	v61 =	vld [tilespmem:s20+$0x10];
	[tilespmem:s22+$0x3870 ss:$0x81] =	vst.msk $0xffff, v0;
	s21 =	smul.u32 $0xC0, s21;
	s28 =	sand.u32 $0x7, s10;
	p1 =	sgt.s32 s31, $0x7F  }
0x1b: {  	v62 =	vld [tilespmem:s20+$0x20];
	[tilespmem:s22+$0x810 ss:$0x81] =	vst.msk $0xffff, v5;
	s30 =	sadd.s32 $0xFFFFFFC0, s27;
	s31 =	sand.u32 $0x78, s10;
	s25 =	simm.s32 @p1 $0x0  }
0x1c: {  	v63 =	vld [tilespmem:s20+$0xFFFFFFC0];
	[tilespmem:s22+$0x1020 ss:$0x81] =	vst.msk $0xffff, v58;
	p1 =	sgt.s32 s30, $0x7F;
	s30 =	sand.u32 $0xC00, s26;
	s24 =	smul.u32 s24, s25  }
0x1d: {  	[tilespmem:s22+$0x1830 ss:$0x81] =	vst.msk $0xffff, v59;
	s26 =	ssub.s32 $0xC0, s27;
	s20 =	sor.u32 s31, s30;
	s31 =	smul.u32 $0x18000, s11  }
0x1e: {  	[tilespmem:s22+$0x2040 ss:$0x81] =	vst.msk $0xffff, v60;
	s21 =	ssub.s32 s23, s21;
	s26 =	simm.s32 @p1 $0x0;
	s20 =	sor.u32 s29, s20  }
0x1f: {  	[tilespmem:s22+$0x2850 ss:$0x81] =	vst.msk $0xffff, v61;
	s26 =	smul.u32 s26, s24;
	s20 =	sshrl.u32 s20, $0x3;
	s27 =	sadd.s32 s3, s31  }
0x20: {  	[tilespmem:s22+$0x3060 ss:$0x81] =	vst.msk $0xffff, v62;
	s21 =	sshll.u32 s21, $0x9;
	s29 =	sshll.u32 s28, $0x12;
	s20 =	sadd.s32 s20, s27  }
0x21: {  	[tilespmem:s22+$0x0 ss:$0x81] =	vst.msk $0xffff, v63;
	s31 =	sor.u32 $0x400, s29;
	s30 =	sand.u32 $0x3FFFFFFF, s26;
	s20 =	sadd.s32 s21, s20  }
0x22: {  	[hbm4b:s20+s31] =	stream.strided.scatter [tilespmem:s19], [sflag:$0x2], s30, s8, s31, $0x20;
	[tilespmem:$0x10100] =	vst v63  }
.LBB1_5:
0x23: {  	p1 =	slt.u32 s15, $0x2  }
0x24: {  	s19 =	smov.u32 s18;
	p2 =	sgt.s32 @!p1 s18, $0xC7  }
0x25: {  	s20 =	sshra.s32 @!p1 s18, $0x1F;
	p3 =	sgt.s32 @!p1 s16, $0x40;
	p4 =	sgt.s32 @!p1 s17, $0xF80  }
0x26: {  	s21 =	sshra.s32 @!p1 s17, $0x1F;
	p2 =	por !p2, p1;
	s18 =	sand.u32 @!p1 s20, s18  }
0x27: {  	p4 =	por !p4, p1;
	s20 =	smov.u32 s17;
	s19 =	simm.s32 @p2 $0xC7  }
0x28: {  	s17 =	sand.u32 @!p1 s21, s17;
	s20 =	simm.s32 @p4 $0xF80;
	s18 =	ssub.s32 @!p1 s19, s18  }
0x29: {  	p3 =	por !p3, p1;
	s17 =	ssub.s32 @!p1 s20, s17;
	s19 =	sadd.s32 @!p1 $0xFFFFFF39, s18  }
0x2a: {  	s20 =	sshra.s32 @!p1 s16, $0x1F;
	s18 =	ssub.s32 @!p1 $0xC8, s18;
	p2 =	sgt.s32 @!p1 s19, $0x0  }
0x2b: {  	s19 =	smov.u32 s16;
	s16 =	sand.u32 @!p1 s20, s16;
	s20 =	sadd.s32 @!p1 $0xFFFFF080, s17  }
0x2c: {  	s17 =	ssub.s32 @!p1 $0x1000, s17;
	s19 =	simm.s32 @p3 $0x40;
	p2 =	por !p2, p1  }
0x2d: {  	s18 =	simm.s32 @!p2 $0x0;
	s16 =	ssub.s32 @!p1 s19, s16;
	p2 =	sgt.s32 @!p1 s20, $0x7F  }
0x2e: {  	s20 =	smov.u32 s13;
	s19 =	sadd.s32 @!p1 $0xFFFFFFC0, s16;
	p2 =	por !p2, p1  }
0x2f: {  	s16 =	ssub.s32 @!p1 $0xC0, s16;
	s17 =	simm.s32 @!p2 $0x0;
	p2 =	sgt.s32 @!p1 s19, $0x7F  }
0x30: {  	s19 =	sadd.s32 $0x80, s12;
	p2 =	por !p2, p1;
	s17 =	smul.u32 @!p1 s18, s17  }
0x31: {  	s18 =	sadd.s32 $0x1000, s13;
	s16 =	simm.s32 @!p2 $0x0;
	p2 =	sgt.s32 s19, $0xBF  }
0x32: {  	s16 =	smul.u32 @!p1 s16, s17;
	s20 =	smov.u32 @p2 s18  }
0x33: {  	s19 =	simm.s32 @p2 $0x0;
	s17 =	simm.s32 $0x1;
	p2 =	sgt.s32 s20, $0xFFF  }
0x34: {  	s17 =	simm.s32 @!p2 $0x0  }
0x35: {  	p0 =	por !p0, !p0;
	s23 =	sadd.s32 s17, s14  }
0x36: {  	s21 =	simm.s32 @!p1 $0x2;
	s20 =	smov.u32 @p2 s2;
	p2 =	sgt.s32 s23, $0xC7  }
0x37: {  	s18 =	smov.u32 s11;
	s23 =	simm.s32 @p2 $0x0;
	p2 =	sne.s32 s15, s7  }
.Ltmp1:
0x38: {  	s11 =	smov.u32 s14;
	s16 =	sand.u32 @!p1 $0x3FFFFFFF, s16;
	(pc) =	sbr.rel @!p2 .LBB1_6-.Ltmp1, $4  }
0x39: {  	_ =	swait.ge @!p1 [sflag:s21], s16;
	s22 =	ssub.s32 @!p1 $0x0, s16;
	s16 =	smov.u32 s9  }
0x3a: {  	s17 =	smov.u32 s10;
	s9 =	smov.u32 s12;
	s10 =	smov.u32 s13  }
0x3b: {  	s12 =	smov.u32 s19;
	s13 =	smov.u32 s20;
	[sflag:s21] =	ssyncset.done @!p1 $0x0  }
0x3c: {  	s15 =	sadd.s32 $0x1, s15;
	[sflag:s21] =	ssyncadd.s32 @!p1 s22;
	s14 =	smov.u32 s23  }
.LBB1_1:
0x3d: {  	p1 =	sge.u32 s15, s5  }
0x3e: {  	s31 =	sadd.s32 $0xFFFFFFFF, s15;
	s19 =	sxor.u32 @!p1 $0xFFFFFFFF, s15  }
0x3f: {  	s20 =	sshll.u32 @!p1 s13, $0x8;
	s21 =	sshll.u32 @!p1 s12, $0x3;
	s22 =	sshll.u32 @!p1 s13, $0x7  }
0x40: {  	s23 =	sand.u32 @!p1 $0x78, s12;
	s20 =	sand.u32 @!p1 $0xFF800, s20;
	s21 =	sand.u32 @!p1 $0xFFC00, s21  }
0x41: {  	s19 =	sshll.u32 @!p1 s19, $0xE;
	s20 =	sadd.s32 @!p1 s20, s21;
	s21 =	sand.u32 @!p1 $0x300, s22  }
0x42: {  	s19 =	sand.u32 @!p1 $0x4000, s19;
	s20 =	sor.u32 @!p1 s21, s20;
	s21 =	sand.u32 @!p1 $0x80, s22  }
0x43: {  	s22 =	sshll.u32 @!p1 s14, $0x11;
	s21 =	sor.u32 @!p1 s23, s21;
	s20 =	sshrl.u32 @!p1 s20, $0x3  }
0x44: {  	s22 =	sadd.s32 @!p1 s6, s22;
	s23 =	sand.u32 @!p1 $0x7, s12;
	s21 =	sshrl.u32 @!p1 s21, $0x3  }
0x45: {  	s20 =	sand.u32 @!p1 $0x1FFE0, s20;
	s21 =	sadd.s32 @!p1 s21, s22;
	s22 =	sshll.u32 @!p1 s23, $0x12  }
0x46: {  	s20 =	sadd.s32 @!p1 s20, s21;
	s21 =	sor.u32 @!p1 $0x400, s22;
	s22 =	simm.s32 @!p1 $0x800  }
0x47: {  	[tilespmem:s19], [sflag:$0x1] =	stream.strided.gather @!p1 [hbm4b:s20+s21], $0x4000, s22, s21, $0x38;
	[tilespmem:$0x10100] =	vst v63  }
0x48: {  	p1 =	sge.u32 s31, s5  }
.Ltmp2:
0x49: {  	_ = 	snop;
	(pc) =	sbr.rel @p1 .LBB1_5-.Ltmp2, $1  }
0x4a: {  	_ =	sdelay $0x3  }
0x4b: {  	s19 =	simm.s32 $0x1  }
0x4c: {  	_ =	swait.ge [sflag:s4], $0x4000;
	s19 =	simm.s32 @!p0 $0x0  }
0x4d: {  	[sflag:s4] =	ssyncset.done $0x0;
	s20 =	sshll.u32 s19, $0xE  }
0x4e: {  	[sflag:s4] =	ssyncadd.s32 $0xFFFFC000;
	s20 =	sor.u32 $0x40, s20  }
0x4f: {  	s19 =	smul.u32 $0x10200, s19;
	v0 =	vld [tilespmem:s20+$0x30]  }
0x50: {  	v1 =	vld [tilespmem:s20+$0xFFFFFFD0]  }
0x51: {  	s19 =	sshrl.u32 s19, $0x2;
	v5 =	vld [tilespmem:s20+$0xFFFFFFE0]  }
0x52: {  	v6 =	vld [tilespmem:s20+$0xFFFFFFF0];
	s22 =	sor.u32 $0x8000, s19  }
0x53: {  	s31 =	sand.u32 $0x1, s15;
	v4 =	vld [tilespmem:s20+$0x0];
	s21 =	sadd.s32 $0x0, s22  }
0x54: {  	v3 =	vld [tilespmem:s20+$0x10];
	s19 =	smul.u32 $0x10200, s31;
	[tilespmem:s21+$0x3870 ss:$0x81] =	vst.msk $0xffff, v0  }
0x55: {  	v2 =	vld [tilespmem:s20+$0x20];
	[tilespmem:s21+$0x810 ss:$0x81] =	vst.msk $0xffff, v1  }
0x56: {  	s19 =	sshrl.u32 s19, $0x2;
	v1 =	vld [tilespmem:s20+$0xFFFFFFC0];
	[tilespmem:s21+$0x1020 ss:$0x81] =	vst.msk $0xffff, v5;
	s20 =	sadd.s32 $0x80, s20  }
0x57: {  	s23 =	simm.s32 $0x4;
	s24 =	simm.s32 $0x8;
	s19 =	sor.u32 $0x8000, s19;
	[tilespmem:s21+$0x1830 ss:$0x81] =	vst.msk $0xffff, v6;
	v0 =	vld [tilespmem:s20+$0x30]  }
.LBB1_3:
0x58: {  	p1 =	sne.s32 s24, $0x1FC;
	v5 =	vld [tilespmem:s20+$0xFFFFFFD0];
	[tilespmem:s21+$0x2040 ss:$0x81] =	vst.msk $0xffff, v4  }
0x59: {  	v6 =	vld [tilespmem:s20+$0xFFFFFFE0];
	[tilespmem:s21+$0x2850 ss:$0x81] =	vst.msk $0xffff, v3  }
0x5a: {  	s25 =	sshra.s32 s23, $0x2;
	s23 =	smov.u32 s24;
	v7 =	vld [tilespmem:s20+$0xFFFFFFF0];
	[tilespmem:s21+$0x3060 ss:$0x81] =	vst.msk $0xffff, v2  }
.Ltmp3:
0x5b: {  	v4 =	vld [tilespmem:s20+$0x0];
	[tilespmem:s21+$0x0 ss:$0x81] =	vst.msk $0xffff, v1;
	s21 =	sadd.s32 s25, s22;
	(pc) =	sbr.rel @p1 .LBB1_3-.Ltmp3, $4  }
0x5c: {  	v3 =	vld [tilespmem:s20+$0x10];
	[tilespmem:s21+$0x3870 ss:$0x81] =	vst.msk $0xffff, v0  }
0x5d: {  	[tilespmem:s21+$0x810 ss:$0x81] =	vst.msk $0xffff, v5;
	v2 =	vld [tilespmem:s20+$0x20]  }
0x5e: {  	v1 =	vld [tilespmem:s20+$0xFFFFFFC0];
	[tilespmem:s21+$0x1020 ss:$0x81] =	vst.msk $0xffff, v6;
	s20 =	sadd.s32 $0x80, s20  }
0x5f: {  	s24 =	sadd.s32 $0x4, s24;
	v0 =	vld [tilespmem:s20+$0x30];
	[tilespmem:s21+$0x1830 ss:$0x81] =	vst.msk $0xffff, v7  }
.Ltmp4:
0x60: {  	_ = 	snop;
	(pc) =	sbr.rel .LBB1_4-.Ltmp4, $1  }
0x61: {  	_ =	sdelay $0x3  }
.LBB1_6:
0x62: {  	_ =	sfence.sel $0x180000  }
0x63: {  	s2 =	simm.s32 $0x1;
	[bflag:$0x0] =	sbarrier.arrive $0xFFFF  }
0x64: {  	s31 =	simm.s32 $0x2;
	[sflag:s2] =	ssyncpa.u1 $0x1  }
0x65: {  	[sflag:s31] =	ssyncpa.u1 $0x1  }
0x66: {  	p0 =	sne.s32 s0, $0x0;
	_ =	strace $0x9000004A  }
0x67: {  	s0 =	sadd.s32 @!p0 $0x100000, s1;
	[bflag:$0x2] =	sbarrier.arrive $0xFFFF  }
0x68: {  	[sflag:s0] =	ssyncadd.tile.s32 @!p0 $0x1;
	_ =	shalt  }
.Lfunc_end1:
_tile_overlayer_lowered:
.L_overlay_start_2:
0x69: {  	(tag) =	ssettag $0x2  }
0x6a: {  	s0 =	rddreg [dreg:$0x0];
	s2 =	stileid.u32  }
0x6b: {  	s1 =	rddreg [dreg:$0x1];
	p0 =	sne.s32 s2, $0x0  }
0x6c: {  	s3 =	rddreg [dreg:$0x2];
	[bflag:$0x3] =	sbarrier.arrive $0xFFFF;
	s2 =	simm.s32 @!p0 $0x1C01  }
0x6d: {  	[timem:s3], [sflag:s2] =	dma.local @!p0 [hbm:s0], s1  }
0x6e: {  	s0 =	simm.s32 @!p0 $0x1  }
0x6f: {  	_ =	swait.ge @!p0 [sflag:s0], s1  }
0x70: {  	s1 =	ssub.s32 @!p0 $0x0, s1;
	[sflag:s0] =	ssyncset.done @!p0 $0x0  }
0x71: {  	[sflag:s0] =	ssyncadd.s32 @!p0 s1  }
0x72: {  	[bflag:$0x3] =	sbarrier.arrive $0xFFFF  }
0x73: {  	_ =	shalt  }

</sc_bundles>
